<compile_context>
chip_gen: v7x
topology: tpu7x:2x2x1
jax: 0.10.2.dev20260603
libtpu: 0.0.44.dev20260713+nightly
codegen_flags: <defaults>
</compile_context>

<pallas_src>
import functools

import jax
import jax.numpy as jnp
from jax import lax
from jax.experimental import pallas as pl
from jax.experimental.pallas import tpu as pltpu
from jax.experimental.pallas import tpu_sc as plsc

B = 100000
D = 128
V = 100
NW = 32
CHUNK = 128
CPW = 25
RPW = CPW * CHUNK
FULL_CHUNKS = B // CHUNK
REM = B - FULL_CHUNKS * CHUNK
NBUF = 5
NG = CPW // NBUF
LAST_VALID = B - (NW - 1) * RPW


def _make_kernel():
    mesh = plsc.VectorSubcoreMesh(core_axis_name="c", subcore_axis_name="s")

    @functools.partial(
        pl.kernel,
        mesh=mesh,
        out_type=jax.ShapeDtypeStruct((B, D), jnp.float32),
        scratch_types=[
            pltpu.VMEM((RPW,), jnp.int32),
            pltpu.VMEM((NBUF, CHUNK, D), jnp.float32),
            pltpu.VMEM_SHARED((V, D), jnp.float32),
            pltpu.SemaphoreType.DMA,
        ] + [pltpu.SemaphoreType.DMA] * (2 * NBUF),
    )
    def emb_kernel(idx_hbm, table_hbm, out_hbm, idx_v, rows_v, table_s,
                   isem, *sems):
        gsems = sems[:NBUF]
        ssems = sems[NBUF:]
        wid = lax.axis_index("s") * 2 + lax.axis_index("c")
        base_chunk = wid * CPW
        last = wid == NW - 1

        idx_full = pltpu.make_async_copy(
            idx_hbm.at[pl.ds(wid * RPW, RPW)], idx_v, isem
        )
        idx_part = pltpu.make_async_copy(
            idx_hbm.at[pl.ds(wid * RPW, LAST_VALID)],
            idx_v.at[pl.ds(0, LAST_VALID)],
            isem,
        )
        pl.when(~last)(idx_full.start)
        pl.when(last)(idx_part.start)

        @pl.when(lax.axis_index("s") == 0)
        def _():
            pltpu.sync_copy(table_hbm, table_s)

        pl.when(~last)(idx_full.wait)
        pl.when(last)(idx_part.wait)
        plsc.subcore_barrier()

        def gather_copies(j, b):
            c = base_chunk + j
            full = pltpu.make_async_copy(
                table_s.at[idx_v.at[pl.ds(j * CHUNK, CHUNK)]],
                rows_v.at[b],
                gsems[b],
            )
            part = pltpu.make_async_copy(
                table_s.at[idx_v.at[pl.ds(j * CHUNK, REM)]],
                rows_v.at[b, pl.ds(0, REM)],
                gsems[b],
            )
            return c, full, part

        def gather_start(j, b):
            c, full, part = gather_copies(j, b)
            pl.when(c < FULL_CHUNKS)(full.start)
            pl.when(c == FULL_CHUNKS)(part.start)

        def gather_wait(j, b):
            c, full, part = gather_copies(j, b)
            pl.when(c < FULL_CHUNKS)(full.wait)
            pl.when(c == FULL_CHUNKS)(part.wait)

        def store_copies(j, b):
            c = base_chunk + j
            full = pltpu.make_async_copy(
                rows_v.at[b], out_hbm.at[pl.ds(c * CHUNK, CHUNK)], ssems[b]
            )
            part = pltpu.make_async_copy(
                rows_v.at[b, pl.ds(0, REM)],
                out_hbm.at[pl.ds(FULL_CHUNKS * CHUNK, REM)],
                ssems[b],
            )
            return c, full, part

        def store_start(j, b):
            c, full, part = store_copies(j, b)
            pl.when(c < FULL_CHUNKS)(full.start)
            pl.when(c == FULL_CHUNKS)(part.start)

        def store_wait(j, b):
            c, full, part = store_copies(j, b)
            pl.when(c < FULL_CHUNKS)(full.wait)
            pl.when(c == FULL_CHUNKS)(part.wait)

        def body(g, carry):
            for b in range(NBUF):
                @pl.when(g > 0)
                def _():
                    store_wait((g - 1) * NBUF + b, b)

                gather_start(g * NBUF + b, b)
            for b in range(NBUF):
                gather_wait(g * NBUF + b, b)
                store_start(g * NBUF + b, b)
            return carry

        lax.fori_loop(0, NG, body, 0)
        for b in range(NBUF):
            store_wait((NG - 1) * NBUF + b, b)

    return emb_kernel


_emb = _make_kernel()


@jax.jit
def kernel(species, embedding):
    return _emb(species.astype(jnp.int32), embedding)

# --- scband reference (transcript-rebuilt; emitter-appended) ---
"""Pipeline reference for scband-chemical-embedding-54443005444202 (READ-ONLY COPY).

The authoritative reference and input builder live on the scoring server;
editing this copy changes nothing except your own understanding.
"""

import jax, jax.numpy as jnp
import numpy as np

NUM_FEATURES = 128
TOTAL_SPECIES = 100
N_NODES = 100000


def setup_inputs(seed: int = 0) -> dict:
    key = jax.random.key(seed)
    k_idx, k_tab = jax.random.split(key)
    species = jax.random.randint(k_idx, (N_NODES,), 0, TOTAL_SPECIES, dtype=jnp.int64 if jax.config.jax_enable_x64 else jnp.int32).astype(jnp.int32)
    # Learned embedding table, as in flax nn.Embed(num_embeddings=TOTAL_SPECIES, features=NUM_FEATURES)
    embedding = jax.random.normal(k_tab, (TOTAL_SPECIES, NUM_FEATURES), dtype=jnp.float32) * 0.02
    return {"species": species, "embedding": embedding}


def reference(species, embedding):
    # nn.Embed.__call__: gather rows of the embedding table
    return jnp.take(embedding, species, axis=0)

if __name__ == "__main__":
    import jax
    _d = setup_inputs()
    print(jax.jit(kernel)(*tuple(_d.values())))

</pallas_src>

<mosaic_0001>
#map = affine_map<(d0, d1) -> (0)>
#map1 = affine_map<(d0, d1) -> (0, 0)>
module attributes {stable_mosaic.version = 14 : i64} {
  func.func @emb_kernel(%arg0: i32, %arg1: i32, %arg2: memref<100000xi32, #tpu.memory_space<hbm>>, %arg3: memref<100x128xf32, #tpu.memory_space<hbm>>, %arg4: memref<100000x128xf32, #tpu.memory_space<hbm>>, %arg5: memref<3200xi32, #tpu.memory_space<vmem>>, %arg6: memref<5x128x128xf32, #tpu.memory_space<vmem>>, %arg7: memref<100x128xf32, #tpu.memory_space<vmem_shared>>, %arg8: memref<!tpu.dma_semaphore, #tpu.memory_space<semaphore_mem>>, %arg9: memref<!tpu.dma_semaphore, #tpu.memory_space<semaphore_mem>>, %arg10: memref<!tpu.dma_semaphore, #tpu.memory_space<semaphore_mem>>, %arg11: memref<!tpu.dma_semaphore, #tpu.memory_space<semaphore_mem>>, %arg12: memref<!tpu.dma_semaphore, #tpu.memory_space<semaphore_mem>>, %arg13: memref<!tpu.dma_semaphore, #tpu.memory_space<semaphore_mem>>, %arg14: memref<!tpu.dma_semaphore, #tpu.memory_space<semaphore_mem>>, %arg15: memref<!tpu.dma_semaphore, #tpu.memory_space<semaphore_mem>>, %arg16: memref<!tpu.dma_semaphore, #tpu.memory_space<semaphore_mem>>, %arg17: memref<!tpu.dma_semaphore, #tpu.memory_space<semaphore_mem>>, %arg18: memref<!tpu.dma_semaphore, #tpu.memory_space<semaphore_mem>>) attributes {dimension_semantics = [#tpu.dimension_semantics<core_parallel>, #tpu.dimension_semantics<subcore_parallel>], iteration_bounds = array<i64: 2, 16>, scalar_prefetch = 0 : i64, scratch_operands = 14 : i64, tpu.core_type = #tpu.core_type<sc_vector_subcore>, window_params = [{transform_indices = #map}, {transform_indices = #map1}, {transform_indices = #map1}]} {
    %mul3A = arith.constant 2 : i32
    %mul3A_0 = arith.muli %arg1, %mul3A : i32
    %add3A = arith.addi %mul3A_0, %arg0 : i32
    %mul3A_1 = arith.constant 25 : i32
    %mul3A_2 = arith.muli %add3A, %mul3A_1 : i32
    %eq3A = arith.constant 31 : i32
    %eq3A_3 = arith.cmpi eq, %add3A, %eq3A : i32
    %mul3A_4 = arith.constant 3200 : i32
    %mul3A_5 = arith.muli %add3A, %mul3A_4 : i32
    %mul3A_6 = arith.constant 3200 : i32
    %mul3A_7 = arith.muli %add3A, %mul3A_6 : i32
    %not3A = arith.constant true
    %not3A_8 = arith.xori %eq3A_3, %not3A : i1
    %convert_element_type3A = arith.extui %not3A_8 : i1 to i32
    %cond3A = arith.constant 0 : i32
    %cond3A_9 = arith.cmpi ne, %convert_element_type3A, %cond3A : i32
    scf.if %cond3A_9 {
      %dma_start3A = tpu.memref_slice %arg2[%mul3A_5] : memref<100000xi32, #tpu.memory_space<hbm>> -> memref<3200xi32, #tpu.memory_space<hbm>>
      %dma_start3A_110 = tpu.memref_slice %arg2[%mul3A_5] : memref<100000xi32, #tpu.memory_space<hbm>> -> memref<3200xi32, #tpu.memory_space<hbm>>
      tpu.enqueue_dma source(%dma_start3A_110 : memref<3200xi32, #tpu.memory_space<hbm>>) target(%arg5 : memref<3200xi32, #tpu.memory_space<vmem>>) target_semaphore(%arg8 : memref<!tpu.dma_semaphore, #tpu.memory_space<semaphore_mem>>)
    } else {
    }
    %convert_element_type3A_10 = arith.extui %eq3A_3 : i1 to i32
    %cond3A_11 = arith.constant 0 : i32
    %cond3A_12 = arith.cmpi ne, %convert_element_type3A_10, %cond3A_11 : i32
    scf.if %cond3A_12 {
      %dma_start3A = arith.constant 0 : i32
      %dma_start3A_110 = tpu.memref_slice %arg5[%dma_start3A] : memref<3200xi32, #tpu.memory_space<vmem>> -> memref<800xi32, #tpu.memory_space<vmem>>
      %dma_start3A_111 = tpu.memref_slice %arg2[%mul3A_7] : memref<100000xi32, #tpu.memory_space<hbm>> -> memref<800xi32, #tpu.memory_space<hbm>>
      %dma_start3A_112 = arith.constant 0 : i32
      %dma_start3A_113 = tpu.memref_slice %arg5[%dma_start3A_112] : memref<3200xi32, #tpu.memory_space<vmem>> -> memref<800xi32, #tpu.memory_space<vmem>>
      %dma_start3A_114 = tpu.memref_slice %arg2[%mul3A_7] : memref<100000xi32, #tpu.memory_space<hbm>> -> memref<800xi32, #tpu.memory_space<hbm>>
      tpu.enqueue_dma source(%dma_start3A_114 : memref<800xi32, #tpu.memory_space<hbm>>) target(%dma_start3A_113 : memref<800xi32, #tpu.memory_space<vmem>>) target_semaphore(%arg8 : memref<!tpu.dma_semaphore, #tpu.memory_space<semaphore_mem>>)
    } else {
    }
    %eq3A_13 = arith.constant 0 : i32
    %eq3A_14 = arith.cmpi eq, %arg1, %eq3A_13 : i32
    %convert_element_type3A_15 = arith.extui %eq3A_14 : i1 to i32
    %cond3A_16 = arith.constant 0 : i32
    %cond3A_17 = arith.cmpi ne, %convert_element_type3A_15, %cond3A_16 : i32
    scf.if %cond3A_17 {
      "tpu.region"() ({
        %run_scoped3A = tpu.sem_alloc : memref<!tpu.dma_semaphore, #tpu.memory_space<semaphore_mem>>
        tpu.enqueue_dma source(%arg3 : memref<100x128xf32, #tpu.memory_space<hbm>>) target(%arg7 : memref<100x128xf32, #tpu.memory_space<vmem_shared>>) target_semaphore(%run_scoped3A : memref<!tpu.dma_semaphore, #tpu.memory_space<semaphore_mem>>)
        tpu.wait_dma2 semaphore(%run_scoped3A : memref<!tpu.dma_semaphore, #tpu.memory_space<semaphore_mem>>) src(%arg3 : memref<100x128xf32, #tpu.memory_space<hbm>>) dst(%arg7 : memref<100x128xf32, #tpu.memory_space<vmem_shared>>)
        tpu.yield
      }) : () -> ()
    } else {
    }
    %not3A_18 = arith.constant true
    %not3A_19 = arith.xori %eq3A_3, %not3A_18 : i1
    %convert_element_type3A_20 = arith.extui %not3A_19 : i1 to i32
    %cond3A_21 = arith.constant 0 : i32
    %cond3A_22 = arith.cmpi ne, %convert_element_type3A_20, %cond3A_21 : i32
    scf.if %cond3A_22 {
      %dma_wait3A = tpu.memref_slice %arg2[%mul3A_5] : memref<100000xi32, #tpu.memory_space<hbm>> -> memref<3200xi32, #tpu.memory_space<hbm>>
      %dma_wait3A_110 = tpu.memref_slice %arg2[%mul3A_5] : memref<100000xi32, #tpu.memory_space<hbm>> -> memref<3200xi32, #tpu.memory_space<hbm>>
      tpu.wait_dma2 semaphore(%arg8 : memref<!tpu.dma_semaphore, #tpu.memory_space<semaphore_mem>>) src(%dma_wait3A_110 : memref<3200xi32, #tpu.memory_space<hbm>>) dst(%arg5 : memref<3200xi32, #tpu.memory_space<vmem>>)
    } else {
    }
    %convert_element_type3A_23 = arith.extui %eq3A_3 : i1 to i32
    %cond3A_24 = arith.constant 0 : i32
    %cond3A_25 = arith.cmpi ne, %convert_element_type3A_23, %cond3A_24 : i32
    scf.if %cond3A_25 {
      %dma_wait3A = arith.constant 0 : i32
      %dma_wait3A_110 = tpu.memref_slice %arg5[%dma_wait3A] : memref<3200xi32, #tpu.memory_space<vmem>> -> memref<800xi32, #tpu.memory_space<vmem>>
      %dma_wait3A_111 = tpu.memref_slice %arg2[%mul3A_7] : memref<100000xi32, #tpu.memory_space<hbm>> -> memref<800xi32, #tpu.memory_space<hbm>>
      %dma_wait3A_112 = arith.constant 0 : i32
      %dma_wait3A_113 = tpu.memref_slice %arg5[%dma_wait3A_112] : memref<3200xi32, #tpu.memory_space<vmem>> -> memref<800xi32, #tpu.memory_space<vmem>>
      %dma_wait3A_114 = tpu.memref_slice %arg2[%mul3A_7] : memref<100000xi32, #tpu.memory_space<hbm>> -> memref<800xi32, #tpu.memory_space<hbm>>
      tpu.wait_dma2 semaphore(%arg8 : memref<!tpu.dma_semaphore, #tpu.memory_space<semaphore_mem>>) src(%dma_wait3A_114 : memref<800xi32, #tpu.memory_space<hbm>>) dst(%dma_wait3A_113 : memref<800xi32, #tpu.memory_space<vmem>>)
    } else {
    }
    %barrier3A = arith.constant 0 : index
    tpu.barrier barrier_id(%barrier3A)
    %scan3A = arith.constant 0 : i32
    %scan3A_26 = arith.constant 0 : i32
    %scan3A_27 = arith.constant 5 : i32
    %scan3A_28 = arith.addi %scan3A_26, %scan3A_27 : i32
    %scan3A_29 = arith.constant 1 : i32
    scf.for %scan3A_110 = %scan3A_26 to %scan3A_28 step %scan3A_29  : i32 {
      %gt3A = arith.constant 0 : i32
      %gt3A_111 = arith.cmpi sgt, %scan3A_110, %gt3A : i32
      %convert_element_type3A_112 = arith.extui %gt3A_111 : i1 to i32
      %cond3A_113 = arith.constant 0 : i32
      %cond3A_114 = arith.cmpi ne, %convert_element_type3A_112, %cond3A_113 : i32
      scf.if %cond3A_114 {
        %sub3A = arith.constant 1 : i32
        %sub3A_440 = arith.subi %scan3A_110, %sub3A : i32
        %mul3A_441 = arith.constant 5 : i32
        %mul3A_442 = arith.muli %sub3A_440, %mul3A_441 : i32
        %add3A_443 = arith.constant 0 : i32
        %add3A_444 = arith.addi %mul3A_442, %add3A_443 : i32
        %add3A_445 = arith.addi %mul3A_2, %add3A_444 : i32
        %mul3A_446 = arith.constant 128 : i32
        %mul3A_447 = arith.muli %add3A_445, %mul3A_446 : i32
        %lt3A_448 = arith.constant 781 : i32
        %lt3A_449 = arith.cmpi slt, %add3A_445, %lt3A_448 : i32
        %convert_element_type3A_450 = arith.extui %lt3A_449 : i1 to i32
        %cond3A_451 = arith.constant 0 : i32
        %cond3A_452 = arith.constant 0 : i32
        %cond3A_453 = arith.cmpi ne, %convert_element_type3A_450, %cond3A_452 : i32
        scf.if %cond3A_453 {
          %dma_wait3A = arith.constant 0 : i32
          %dma_wait3A_460 = arith.constant 0 : i32
          %dma_wait3A_461 = tpu.memref_slice %arg6[%cond3A_451, %dma_wait3A, %dma_wait3A_460] : memref<5x128x128xf32, #tpu.memory_space<vmem>> -> memref<1x128x128xf32, #tpu.memory_space<vmem>>
          %dma_wait3A_462 = tpu.memref_squeeze %dma_wait3A_461 : memref<1x128x128xf32, #tpu.memory_space<vmem>> -> memref<128x128xf32, #tpu.memory_space<vmem>>
          %dma_wait3A_463 = arith.constant 0 : i32
          %dma_wait3A_464 = tpu.memref_slice %arg4[%mul3A_447, %dma_wait3A_463] : memref<100000x128xf32, #tpu.memory_space<hbm>> -> memref<128x128xf32, #tpu.memory_space<hbm>>
          %dma_wait3A_465 = arith.constant 0 : i32
          %dma_wait3A_466 = tpu.memref_slice %arg4[%mul3A_447, %dma_wait3A_465] : memref<100000x128xf32, #tpu.memory_space<hbm>> -> memref<128x128xf32, #tpu.memory_space<hbm>>
          %dma_wait3A_467 = arith.constant 0 : i32
          %dma_wait3A_468 = arith.constant 0 : i32
          %dma_wait3A_469 = tpu.memref_slice %arg6[%cond3A_451, %dma_wait3A_467, %dma_wait3A_468] : memref<5x128x128xf32, #tpu.memory_space<vmem>> -> memref<1x128x128xf32, #tpu.memory_space<vmem>>
          %dma_wait3A_470 = tpu.memref_squeeze %dma_wait3A_469 : memref<1x128x128xf32, #tpu.memory_space<vmem>> -> memref<128x128xf32, #tpu.memory_space<vmem>>
          tpu.wait_dma2 semaphore(%arg14 : memref<!tpu.dma_semaphore, #tpu.memory_space<semaphore_mem>>) src(%dma_wait3A_470 : memref<128x128xf32, #tpu.memory_space<vmem>>) dst(%dma_wait3A_466 : memref<128x128xf32, #tpu.memory_space<hbm>>)
        } else {
        }
        %eq3A_454 = arith.constant 781 : i32
        %eq3A_455 = arith.cmpi eq, %add3A_445, %eq3A_454 : i32
        %convert_element_type3A_456 = arith.extui %eq3A_455 : i1 to i32
        %cond3A_457 = arith.constant 0 : i32
        %cond3A_458 = arith.constant 0 : i32
        %cond3A_459 = arith.cmpi ne, %convert_element_type3A_456, %cond3A_458 : i32
        scf.if %cond3A_459 {
          %dma_wait3A = arith.constant 0 : i32
          %dma_wait3A_460 = arith.constant 0 : i32
          %dma_wait3A_461 = tpu.memref_slice %arg6[%cond3A_457, %dma_wait3A, %dma_wait3A_460] : memref<5x128x128xf32, #tpu.memory_space<vmem>> -> memref<1x32x128xf32, #tpu.memory_space<vmem>>
          %dma_wait3A_462 = tpu.memref_squeeze %dma_wait3A_461 : memref<1x32x128xf32, #tpu.memory_space<vmem>> -> memref<32x128xf32, #tpu.memory_space<vmem>>
          %dma_wait3A_463 = arith.constant 99968 : i32
          %dma_wait3A_464 = arith.constant 0 : i32
          %dma_wait3A_465 = tpu.memref_slice %arg4[%dma_wait3A_463, %dma_wait3A_464] : memref<100000x128xf32, #tpu.memory_space<hbm>> -> memref<32x128xf32, #tpu.memory_space<hbm>>
          %dma_wait3A_466 = arith.constant 99968 : i32
          %dma_wait3A_467 = arith.constant 0 : i32
          %dma_wait3A_468 = tpu.memref_slice %arg4[%dma_wait3A_466, %dma_wait3A_467] : memref<100000x128xf32, #tpu.memory_space<hbm>> -> memref<32x128xf32, #tpu.memory_space<hbm>>
          %dma_wait3A_469 = arith.constant 0 : i32
          %dma_wait3A_470 = arith.constant 0 : i32
          %dma_wait3A_471 = tpu.memref_slice %arg6[%cond3A_457, %dma_wait3A_469, %dma_wait3A_470] : memref<5x128x128xf32, #tpu.memory_space<vmem>> -> memref<1x32x128xf32, #tpu.memory_space<vmem>>
          %dma_wait3A_472 = tpu.memref_squeeze %dma_wait3A_471 : memref<1x32x128xf32, #tpu.memory_space<vmem>> -> memref<32x128xf32, #tpu.memory_space<vmem>>
          tpu.wait_dma2 semaphore(%arg14 : memref<!tpu.dma_semaphore, #tpu.memory_space<semaphore_mem>>) src(%dma_wait3A_472 : memref<32x128xf32, #tpu.memory_space<vmem>>) dst(%dma_wait3A_468 : memref<32x128xf32, #tpu.memory_space<hbm>>)
        } else {
        }
      } else {
      }
      %mul3A_115 = arith.constant 5 : i32
      %mul3A_116 = arith.muli %scan3A_110, %mul3A_115 : i32
      %add3A_117 = arith.constant 0 : i32
      %add3A_118 = arith.addi %mul3A_116, %add3A_117 : i32
      %add3A_119 = arith.addi %mul3A_2, %add3A_118 : i32
      %mul3A_120 = arith.constant 128 : i32
      %mul3A_121 = arith.muli %add3A_118, %mul3A_120 : i32
      %mul3A_122 = arith.constant 128 : i32
      %mul3A_123 = arith.muli %add3A_118, %mul3A_122 : i32
      %lt3A_124 = arith.constant 781 : i32
      %lt3A_125 = arith.cmpi slt, %add3A_119, %lt3A_124 : i32
      %convert_element_type3A_126 = arith.extui %lt3A_125 : i1 to i32
      %cond3A_127 = arith.constant 0 : i32
      %cond3A_128 = arith.constant 0 : i32
      %cond3A_129 = arith.cmpi ne, %convert_element_type3A_126, %cond3A_128 : i32
      scf.if %cond3A_129 {
        %dma_start3A = arith.constant 0 : i32
        %dma_start3A_440 = arith.constant 0 : i32
        %dma_start3A_441 = tpu.memref_slice %arg6[%cond3A_127, %dma_start3A, %dma_start3A_440] : memref<5x128x128xf32, #tpu.memory_space<vmem>> -> memref<1x128x128xf32, #tpu.memory_space<vmem>>
        %dma_start3A_442 = tpu.memref_squeeze %dma_start3A_441 : memref<1x128x128xf32, #tpu.memory_space<vmem>> -> memref<128x128xf32, #tpu.memory_space<vmem>>
        %dma_start3A_443 = tpu.memref_slice %arg5[%mul3A_121] : memref<3200xi32, #tpu.memory_space<vmem>> -> memref<128xi32, #tpu.memory_space<vmem>>
        %dma_start3A_444 = arith.constant 0 : i32
        %dma_start3A_445 = arith.constant 0 : i32
        %dma_start3A_446 = tpu.memref_slice %arg7[%dma_start3A_444, %dma_start3A_445] : memref<100x128xf32, #tpu.memory_space<vmem_shared>> -> memref<100x128xf32, #tpu.memory_space<vmem_shared>>
        tpu.enqueue_indirect_dma source(%dma_start3A_446 : memref<100x128xf32, #tpu.memory_space<vmem_shared>>) target(%dma_start3A_442 : memref<128x128xf32, #tpu.memory_space<vmem>>) offsets(%dma_start3A_443 : memref<128xi32, #tpu.memory_space<vmem>>) semaphore(%arg9 : memref<!tpu.dma_semaphore, #tpu.memory_space<semaphore_mem>>)
      } else {
      }
      %eq3A_130 = arith.constant 781 : i32
      %eq3A_131 = arith.cmpi eq, %add3A_119, %eq3A_130 : i32
      %convert_element_type3A_132 = arith.extui %eq3A_131 : i1 to i32
      %cond3A_133 = arith.constant 0 : i32
      %cond3A_134 = arith.constant 0 : i32
      %cond3A_135 = arith.cmpi ne, %convert_element_type3A_132, %cond3A_134 : i32
      scf.if %cond3A_135 {
        %dma_start3A = arith.constant 0 : i32
        %dma_start3A_440 = arith.constant 0 : i32
        %dma_start3A_441 = tpu.memref_slice %arg6[%cond3A_133, %dma_start3A, %dma_start3A_440] : memref<5x128x128xf32, #tpu.memory_space<vmem>> -> memref<1x32x128xf32, #tpu.memory_space<vmem>>
        %dma_start3A_442 = tpu.memref_squeeze %dma_start3A_441 : memref<1x32x128xf32, #tpu.memory_space<vmem>> -> memref<32x128xf32, #tpu.memory_space<vmem>>
        %dma_start3A_443 = tpu.memref_slice %arg5[%mul3A_123] : memref<3200xi32, #tpu.memory_space<vmem>> -> memref<32xi32, #tpu.memory_space<vmem>>
        %dma_start3A_444 = arith.constant 0 : i32
        %dma_start3A_445 = arith.constant 0 : i32
        %dma_start3A_446 = tpu.memref_slice %arg7[%dma_start3A_444, %dma_start3A_445] : memref<100x128xf32, #tpu.memory_space<vmem_shared>> -> memref<100x128xf32, #tpu.memory_space<vmem_shared>>
        tpu.enqueue_indirect_dma source(%dma_start3A_446 : memref<100x128xf32, #tpu.memory_space<vmem_shared>>) target(%dma_start3A_442 : memref<32x128xf32, #tpu.memory_space<vmem>>) offsets(%dma_start3A_443 : memref<32xi32, #tpu.memory_space<vmem>>) semaphore(%arg9 : memref<!tpu.dma_semaphore, #tpu.memory_space<semaphore_mem>>)
      } else {
      }
      %gt3A_136 = arith.constant 0 : i32
      %gt3A_137 = arith.cmpi sgt, %scan3A_110, %gt3A_136 : i32
      %convert_element_type3A_138 = arith.extui %gt3A_137 : i1 to i32
      %cond3A_139 = arith.constant 0 : i32
      %cond3A_140 = arith.cmpi ne, %convert_element_type3A_138, %cond3A_139 : i32
      scf.if %cond3A_140 {
        %sub3A = arith.constant 1 : i32
        %sub3A_440 = arith.subi %scan3A_110, %sub3A : i32
        %mul3A_441 = arith.constant 5 : i32
        %mul3A_442 = arith.muli %sub3A_440, %mul3A_441 : i32
        %add3A_443 = arith.constant 1 : i32
        %add3A_444 = arith.addi %mul3A_442, %add3A_443 : i32
        %add3A_445 = arith.addi %mul3A_2, %add3A_444 : i32
        %mul3A_446 = arith.constant 128 : i32
        %mul3A_447 = arith.muli %add3A_445, %mul3A_446 : i32
        %lt3A_448 = arith.constant 781 : i32
        %lt3A_449 = arith.cmpi slt, %add3A_445, %lt3A_448 : i32
        %convert_element_type3A_450 = arith.extui %lt3A_449 : i1 to i32
        %cond3A_451 = arith.constant 1 : i32
        %cond3A_452 = arith.constant 0 : i32
        %cond3A_453 = arith.cmpi ne, %convert_element_type3A_450, %cond3A_452 : i32
        scf.if %cond3A_453 {
          %dma_wait3A = arith.constant 0 : i32
          %dma_wait3A_460 = arith.constant 0 : i32
          %dma_wait3A_461 = tpu.memref_slice %arg6[%cond3A_451, %dma_wait3A, %dma_wait3A_460] : memref<5x128x128xf32, #tpu.memory_space<vmem>> -> memref<1x128x128xf32, #tpu.memory_space<vmem>>
          %dma_wait3A_462 = tpu.memref_squeeze %dma_wait3A_461 : memref<1x128x128xf32, #tpu.memory_space<vmem>> -> memref<128x128xf32, #tpu.memory_space<vmem>>
          %dma_wait3A_463 = arith.constant 0 : i32
          %dma_wait3A_464 = tpu.memref_slice %arg4[%mul3A_447, %dma_wait3A_463] : memref<100000x128xf32, #tpu.memory_space<hbm>> -> memref<128x128xf32, #tpu.memory_space<hbm>>
          %dma_wait3A_465 = arith.constant 0 : i32
          %dma_wait3A_466 = tpu.memref_slice %arg4[%mul3A_447, %dma_wait3A_465] : memref<100000x128xf32, #tpu.memory_space<hbm>> -> memref<128x128xf32, #tpu.memory_space<hbm>>
          %dma_wait3A_467 = arith.constant 0 : i32
          %dma_wait3A_468 = arith.constant 0 : i32
          %dma_wait3A_469 = tpu.memref_slice %arg6[%cond3A_451, %dma_wait3A_467, %dma_wait3A_468] : memref<5x128x128xf32, #tpu.memory_space<vmem>> -> memref<1x128x128xf32, #tpu.memory_space<vmem>>
          %dma_wait3A_470 = tpu.memref_squeeze %dma_wait3A_469 : memref<1x128x128xf32, #tpu.memory_space<vmem>> -> memref<128x128xf32, #tpu.memory_space<vmem>>
          tpu.wait_dma2 semaphore(%arg15 : memref<!tpu.dma_semaphore, #tpu.memory_space<semaphore_mem>>) src(%dma_wait3A_470 : memref<128x128xf32, #tpu.memory_space<vmem>>) dst(%dma_wait3A_466 : memref<128x128xf32, #tpu.memory_space<hbm>>)
        } else {
        }
        %eq3A_454 = arith.constant 781 : i32
        %eq3A_455 = arith.cmpi eq, %add3A_445, %eq3A_454 : i32
        %convert_element_type3A_456 = arith.extui %eq3A_455 : i1 to i32
        %cond3A_457 = arith.constant 1 : i32
        %cond3A_458 = arith.constant 0 : i32
        %cond3A_459 = arith.cmpi ne, %convert_element_type3A_456, %cond3A_458 : i32
        scf.if %cond3A_459 {
          %dma_wait3A = arith.constant 0 : i32
          %dma_wait3A_460 = arith.constant 0 : i32
          %dma_wait3A_461 = tpu.memref_slice %arg6[%cond3A_457, %dma_wait3A, %dma_wait3A_460] : memref<5x128x128xf32, #tpu.memory_space<vmem>> -> memref<1x32x128xf32, #tpu.memory_space<vmem>>
          %dma_wait3A_462 = tpu.memref_squeeze %dma_wait3A_461 : memref<1x32x128xf32, #tpu.memory_space<vmem>> -> memref<32x128xf32, #tpu.memory_space<vmem>>
          %dma_wait3A_463 = arith.constant 99968 : i32
          %dma_wait3A_464 = arith.constant 0 : i32
          %dma_wait3A_465 = tpu.memref_slice %arg4[%dma_wait3A_463, %dma_wait3A_464] : memref<100000x128xf32, #tpu.memory_space<hbm>> -> memref<32x128xf32, #tpu.memory_space<hbm>>
          %dma_wait3A_466 = arith.constant 99968 : i32
          %dma_wait3A_467 = arith.constant 0 : i32
          %dma_wait3A_468 = tpu.memref_slice %arg4[%dma_wait3A_466, %dma_wait3A_467] : memref<100000x128xf32, #tpu.memory_space<hbm>> -> memref<32x128xf32, #tpu.memory_space<hbm>>
          %dma_wait3A_469 = arith.constant 0 : i32
          %dma_wait3A_470 = arith.constant 0 : i32
          %dma_wait3A_471 = tpu.memref_slice %arg6[%cond3A_457, %dma_wait3A_469, %dma_wait3A_470] : memref<5x128x128xf32, #tpu.memory_space<vmem>> -> memref<1x32x128xf32, #tpu.memory_space<vmem>>
          %dma_wait3A_472 = tpu.memref_squeeze %dma_wait3A_471 : memref<1x32x128xf32, #tpu.memory_space<vmem>> -> memref<32x128xf32, #tpu.memory_space<vmem>>
          tpu.wait_dma2 semaphore(%arg15 : memref<!tpu.dma_semaphore, #tpu.memory_space<semaphore_mem>>) src(%dma_wait3A_472 : memref<32x128xf32, #tpu.memory_space<vmem>>) dst(%dma_wait3A_468 : memref<32x128xf32, #tpu.memory_space<hbm>>)
        } else {
        }
      } else {
      }
      %mul3A_141 = arith.constant 5 : i32
      %mul3A_142 = arith.muli %scan3A_110, %mul3A_141 : i32
      %add3A_143 = arith.constant 1 : i32
      %add3A_144 = arith.addi %mul3A_142, %add3A_143 : i32
      %add3A_145 = arith.addi %mul3A_2, %add3A_144 : i32
      %mul3A_146 = arith.constant 128 : i32
      %mul3A_147 = arith.muli %add3A_144, %mul3A_146 : i32
      %mul3A_148 = arith.constant 128 : i32
      %mul3A_149 = arith.muli %add3A_144, %mul3A_148 : i32
      %lt3A_150 = arith.constant 781 : i32
      %lt3A_151 = arith.cmpi slt, %add3A_145, %lt3A_150 : i32
      %convert_element_type3A_152 = arith.extui %lt3A_151 : i1 to i32
      %cond3A_153 = arith.constant 1 : i32
      %cond3A_154 = arith.constant 0 : i32
      %cond3A_155 = arith.cmpi ne, %convert_element_type3A_152, %cond3A_154 : i32
      scf.if %cond3A_155 {
        %dma_start3A = arith.constant 0 : i32
        %dma_start3A_440 = arith.constant 0 : i32
        %dma_start3A_441 = tpu.memref_slice %arg6[%cond3A_153, %dma_start3A, %dma_start3A_440] : memref<5x128x128xf32, #tpu.memory_space<vmem>> -> memref<1x128x128xf32, #tpu.memory_space<vmem>>
        %dma_start3A_442 = tpu.memref_squeeze %dma_start3A_441 : memref<1x128x128xf32, #tpu.memory_space<vmem>> -> memref<128x128xf32, #tpu.memory_space<vmem>>
        %dma_start3A_443 = tpu.memref_slice %arg5[%mul3A_147] : memref<3200xi32, #tpu.memory_space<vmem>> -> memref<128xi32, #tpu.memory_space<vmem>>
        %dma_start3A_444 = arith.constant 0 : i32
        %dma_start3A_445 = arith.constant 0 : i32
        %dma_start3A_446 = tpu.memref_slice %arg7[%dma_start3A_444, %dma_start3A_445] : memref<100x128xf32, #tpu.memory_space<vmem_shared>> -> memref<100x128xf32, #tpu.memory_space<vmem_shared>>
        tpu.enqueue_indirect_dma source(%dma_start3A_446 : memref<100x128xf32, #tpu.memory_space<vmem_shared>>) target(%dma_start3A_442 : memref<128x128xf32, #tpu.memory_space<vmem>>) offsets(%dma_start3A_443 : memref<128xi32, #tpu.memory_space<vmem>>) semaphore(%arg10 : memref<!tpu.dma_semaphore, #tpu.memory_space<semaphore_mem>>)
      } else {
      }
      %eq3A_156 = arith.constant 781 : i32
      %eq3A_157 = arith.cmpi eq, %add3A_145, %eq3A_156 : i32
      %convert_element_type3A_158 = arith.extui %eq3A_157 : i1 to i32
      %cond3A_159 = arith.constant 1 : i32
      %cond3A_160 = arith.constant 0 : i32
      %cond3A_161 = arith.cmpi ne, %convert_element_type3A_158, %cond3A_160 : i32
      scf.if %cond3A_161 {
        %dma_start3A = arith.constant 0 : i32
        %dma_start3A_440 = arith.constant 0 : i32
        %dma_start3A_441 = tpu.memref_slice %arg6[%cond3A_159, %dma_start3A, %dma_start3A_440] : memref<5x128x128xf32, #tpu.memory_space<vmem>> -> memref<1x32x128xf32, #tpu.memory_space<vmem>>
        %dma_start3A_442 = tpu.memref_squeeze %dma_start3A_441 : memref<1x32x128xf32, #tpu.memory_space<vmem>> -> memref<32x128xf32, #tpu.memory_space<vmem>>
        %dma_start3A_443 = tpu.memref_slice %arg5[%mul3A_149] : memref<3200xi32, #tpu.memory_space<vmem>> -> memref<32xi32, #tpu.memory_space<vmem>>
        %dma_start3A_444 = arith.constant 0 : i32
        %dma_start3A_445 = arith.constant 0 : i32
        %dma_start3A_446 = tpu.memref_slice %arg7[%dma_start3A_444, %dma_start3A_445] : memref<100x128xf32, #tpu.memory_space<vmem_shared>> -> memref<100x128xf32, #tpu.memory_space<vmem_shared>>
        tpu.enqueue_indirect_dma source(%dma_start3A_446 : memref<100x128xf32, #tpu.memory_space<vmem_shared>>) target(%dma_start3A_442 : memref<32x128xf32, #tpu.memory_space<vmem>>) offsets(%dma_start3A_443 : memref<32xi32, #tpu.memory_space<vmem>>) semaphore(%arg10 : memref<!tpu.dma_semaphore, #tpu.memory_space<semaphore_mem>>)
      } else {
      }
      %gt3A_162 = arith.constant 0 : i32
      %gt3A_163 = arith.cmpi sgt, %scan3A_110, %gt3A_162 : i32
      %convert_element_type3A_164 = arith.extui %gt3A_163 : i1 to i32
      %cond3A_165 = arith.constant 0 : i32
      %cond3A_166 = arith.cmpi ne, %convert_element_type3A_164, %cond3A_165 : i32
      scf.if %cond3A_166 {
        %sub3A = arith.constant 1 : i32
        %sub3A_440 = arith.subi %scan3A_110, %sub3A : i32
        %mul3A_441 = arith.constant 5 : i32
        %mul3A_442 = arith.muli %sub3A_440, %mul3A_441 : i32
        %add3A_443 = arith.constant 2 : i32
        %add3A_444 = arith.addi %mul3A_442, %add3A_443 : i32
        %add3A_445 = arith.addi %mul3A_2, %add3A_444 : i32
        %mul3A_446 = arith.constant 128 : i32
        %mul3A_447 = arith.muli %add3A_445, %mul3A_446 : i32
        %lt3A_448 = arith.constant 781 : i32
        %lt3A_449 = arith.cmpi slt, %add3A_445, %lt3A_448 : i32
        %convert_element_type3A_450 = arith.extui %lt3A_449 : i1 to i32
        %cond3A_451 = arith.constant 2 : i32
        %cond3A_452 = arith.constant 0 : i32
        %cond3A_453 = arith.cmpi ne, %convert_element_type3A_450, %cond3A_452 : i32
        scf.if %cond3A_453 {
          %dma_wait3A = arith.constant 0 : i32
          %dma_wait3A_460 = arith.constant 0 : i32
          %dma_wait3A_461 = tpu.memref_slice %arg6[%cond3A_451, %dma_wait3A, %dma_wait3A_460] : memref<5x128x128xf32, #tpu.memory_space<vmem>> -> memref<1x128x128xf32, #tpu.memory_space<vmem>>
          %dma_wait3A_462 = tpu.memref_squeeze %dma_wait3A_461 : memref<1x128x128xf32, #tpu.memory_space<vmem>> -> memref<128x128xf32, #tpu.memory_space<vmem>>
          %dma_wait3A_463 = arith.constant 0 : i32
          %dma_wait3A_464 = tpu.memref_slice %arg4[%mul3A_447, %dma_wait3A_463] : memref<100000x128xf32, #tpu.memory_space<hbm>> -> memref<128x128xf32, #tpu.memory_space<hbm>>
          %dma_wait3A_465 = arith.constant 0 : i32
          %dma_wait3A_466 = tpu.memref_slice %arg4[%mul3A_447, %dma_wait3A_465] : memref<100000x128xf32, #tpu.memory_space<hbm>> -> memref<128x128xf32, #tpu.memory_space<hbm>>
          %dma_wait3A_467 = arith.constant 0 : i32
          %dma_wait3A_468 = arith.constant 0 : i32
          %dma_wait3A_469 = tpu.memref_slice %arg6[%cond3A_451, %dma_wait3A_467, %dma_wait3A_468] : memref<5x128x128xf32, #tpu.memory_space<vmem>> -> memref<1x128x128xf32, #tpu.memory_space<vmem>>
          %dma_wait3A_470 = tpu.memref_squeeze %dma_wait3A_469 : memref<1x128x128xf32, #tpu.memory_space<vmem>> -> memref<128x128xf32, #tpu.memory_space<vmem>>
          tpu.wait_dma2 semaphore(%arg16 : memref<!tpu.dma_semaphore, #tpu.memory_space<semaphore_mem>>) src(%dma_wait3A_470 : memref<128x128xf32, #tpu.memory_space<vmem>>) dst(%dma_wait3A_466 : memref<128x128xf32, #tpu.memory_space<hbm>>)
        } else {
        }
        %eq3A_454 = arith.constant 781 : i32
        %eq3A_455 = arith.cmpi eq, %add3A_445, %eq3A_454 : i32
        %convert_element_type3A_456 = arith.extui %eq3A_455 : i1 to i32
        %cond3A_457 = arith.constant 2 : i32
        %cond3A_458 = arith.constant 0 : i32
        %cond3A_459 = arith.cmpi ne, %convert_element_type3A_456, %cond3A_458 : i32
        scf.if %cond3A_459 {
          %dma_wait3A = arith.constant 0 : i32
          %dma_wait3A_460 = arith.constant 0 : i32
          %dma_wait3A_461 = tpu.memref_slice %arg6[%cond3A_457, %dma_wait3A, %dma_wait3A_460] : memref<5x128x128xf32, #tpu.memory_space<vmem>> -> memref<1x32x128xf32, #tpu.memory_space<vmem>>
          %dma_wait3A_462 = tpu.memref_squeeze %dma_wait3A_461 : memref<1x32x128xf32, #tpu.memory_space<vmem>> -> memref<32x128xf32, #tpu.memory_space<vmem>>
          %dma_wait3A_463 = arith.constant 99968 : i32
          %dma_wait3A_464 = arith.constant 0 : i32
          %dma_wait3A_465 = tpu.memref_slice %arg4[%dma_wait3A_463, %dma_wait3A_464] : memref<100000x128xf32, #tpu.memory_space<hbm>> -> memref<32x128xf32, #tpu.memory_space<hbm>>
          %dma_wait3A_466 = arith.constant 99968 : i32
          %dma_wait3A_467 = arith.constant 0 : i32
          %dma_wait3A_468 = tpu.memref_slice %arg4[%dma_wait3A_466, %dma_wait3A_467] : memref<100000x128xf32, #tpu.memory_space<hbm>> -> memref<32x128xf32, #tpu.memory_space<hbm>>
          %dma_wait3A_469 = arith.constant 0 : i32
          %dma_wait3A_470 = arith.constant 0 : i32
          %dma_wait3A_471 = tpu.memref_slice %arg6[%cond3A_457, %dma_wait3A_469, %dma_wait3A_470] : memref<5x128x128xf32, #tpu.memory_space<vmem>> -> memref<1x32x128xf32, #tpu.memory_space<vmem>>
          %dma_wait3A_472 = tpu.memref_squeeze %dma_wait3A_471 : memref<1x32x128xf32, #tpu.memory_space<vmem>> -> memref<32x128xf32, #tpu.memory_space<vmem>>
          tpu.wait_dma2 semaphore(%arg16 : memref<!tpu.dma_semaphore, #tpu.memory_space<semaphore_mem>>) src(%dma_wait3A_472 : memref<32x128xf32, #tpu.memory_space<vmem>>) dst(%dma_wait3A_468 : memref<32x128xf32, #tpu.memory_space<hbm>>)
        } else {
        }
      } else {
      }
      %mul3A_167 = arith.constant 5 : i32
      %mul3A_168 = arith.muli %scan3A_110, %mul3A_167 : i32
      %add3A_169 = arith.constant 2 : i32
      %add3A_170 = arith.addi %mul3A_168, %add3A_169 : i32
      %add3A_171 = arith.addi %mul3A_2, %add3A_170 : i32
      %mul3A_172 = arith.constant 128 : i32
      %mul3A_173 = arith.muli %add3A_170, %mul3A_172 : i32
      %mul3A_174 = arith.constant 128 : i32
      %mul3A_175 = arith.muli %add3A_170, %mul3A_174 : i32
      %lt3A_176 = arith.constant 781 : i32
      %lt3A_177 = arith.cmpi slt, %add3A_171, %lt3A_176 : i32
      %convert_element_type3A_178 = arith.extui %lt3A_177 : i1 to i32
      %cond3A_179 = arith.constant 2 : i32
      %cond3A_180 = arith.constant 0 : i32
      %cond3A_181 = arith.cmpi ne, %convert_element_type3A_178, %cond3A_180 : i32
      scf.if %cond3A_181 {
        %dma_start3A = arith.constant 0 : i32
        %dma_start3A_440 = arith.constant 0 : i32
        %dma_start3A_441 = tpu.memref_slice %arg6[%cond3A_179, %dma_start3A, %dma_start3A_440] : memref<5x128x128xf32, #tpu.memory_space<vmem>> -> memref<1x128x128xf32, #tpu.memory_space<vmem>>
        %dma_start3A_442 = tpu.memref_squeeze %dma_start3A_441 : memref<1x128x128xf32, #tpu.memory_space<vmem>> -> memref<128x128xf32, #tpu.memory_space<vmem>>
        %dma_start3A_443 = tpu.memref_slice %arg5[%mul3A_173] : memref<3200xi32, #tpu.memory_space<vmem>> -> memref<128xi32, #tpu.memory_space<vmem>>
        %dma_start3A_444 = arith.constant 0 : i32
        %dma_start3A_445 = arith.constant 0 : i32
        %dma_start3A_446 = tpu.memref_slice %arg7[%dma_start3A_444, %dma_start3A_445] : memref<100x128xf32, #tpu.memory_space<vmem_shared>> -> memref<100x128xf32, #tpu.memory_space<vmem_shared>>
        tpu.enqueue_indirect_dma source(%dma_start3A_446 : memref<100x128xf32, #tpu.memory_space<vmem_shared>>) target(%dma_start3A_442 : memref<128x128xf32, #tpu.memory_space<vmem>>) offsets(%dma_start3A_443 : memref<128xi32, #tpu.memory_space<vmem>>) semaphore(%arg11 : memref<!tpu.dma_semaphore, #tpu.memory_space<semaphore_mem>>)
      } else {
      }
      %eq3A_182 = arith.constant 781 : i32
      %eq3A_183 = arith.cmpi eq, %add3A_171, %eq3A_182 : i32
      %convert_element_type3A_184 = arith.extui %eq3A_183 : i1 to i32
      %cond3A_185 = arith.constant 2 : i32
      %cond3A_186 = arith.constant 0 : i32
      %cond3A_187 = arith.cmpi ne, %convert_element_type3A_184, %cond3A_186 : i32
      scf.if %cond3A_187 {
        %dma_start3A = arith.constant 0 : i32
        %dma_start3A_440 = arith.constant 0 : i32
        %dma_start3A_441 = tpu.memref_slice %arg6[%cond3A_185, %dma_start3A, %dma_start3A_440] : memref<5x128x128xf32, #tpu.memory_space<vmem>> -> memref<1x32x128xf32, #tpu.memory_space<vmem>>
        %dma_start3A_442 = tpu.memref_squeeze %dma_start3A_441 : memref<1x32x128xf32, #tpu.memory_space<vmem>> -> memref<32x128xf32, #tpu.memory_space<vmem>>
        %dma_start3A_443 = tpu.memref_slice %arg5[%mul3A_175] : memref<3200xi32, #tpu.memory_space<vmem>> -> memref<32xi32, #tpu.memory_space<vmem>>
        %dma_start3A_444 = arith.constant 0 : i32
        %dma_start3A_445 = arith.constant 0 : i32
        %dma_start3A_446 = tpu.memref_slice %arg7[%dma_start3A_444, %dma_start3A_445] : memref<100x128xf32, #tpu.memory_space<vmem_shared>> -> memref<100x128xf32, #tpu.memory_space<vmem_shared>>
        tpu.enqueue_indirect_dma source(%dma_start3A_446 : memref<100x128xf32, #tpu.memory_space<vmem_shared>>) target(%dma_start3A_442 : memref<32x128xf32, #tpu.memory_space<vmem>>) offsets(%dma_start3A_443 : memref<32xi32, #tpu.memory_space<vmem>>) semaphore(%arg11 : memref<!tpu.dma_semaphore, #tpu.memory_space<semaphore_mem>>)
      } else {
      }
      %gt3A_188 = arith.constant 0 : i32
      %gt3A_189 = arith.cmpi sgt, %scan3A_110, %gt3A_188 : i32
      %convert_element_type3A_190 = arith.extui %gt3A_189 : i1 to i32
      %cond3A_191 = arith.constant 0 : i32
      %cond3A_192 = arith.cmpi ne, %convert_element_type3A_190, %cond3A_191 : i32
      scf.if %cond3A_192 {
        %sub3A = arith.constant 1 : i32
        %sub3A_440 = arith.subi %scan3A_110, %sub3A : i32
        %mul3A_441 = arith.constant 5 : i32
        %mul3A_442 = arith.muli %sub3A_440, %mul3A_441 : i32
        %add3A_443 = arith.constant 3 : i32
        %add3A_444 = arith.addi %mul3A_442, %add3A_443 : i32
        %add3A_445 = arith.addi %mul3A_2, %add3A_444 : i32
        %mul3A_446 = arith.constant 128 : i32
        %mul3A_447 = arith.muli %add3A_445, %mul3A_446 : i32
        %lt3A_448 = arith.constant 781 : i32
        %lt3A_449 = arith.cmpi slt, %add3A_445, %lt3A_448 : i32
        %convert_element_type3A_450 = arith.extui %lt3A_449 : i1 to i32
        %cond3A_451 = arith.constant 3 : i32
        %cond3A_452 = arith.constant 0 : i32
        %cond3A_453 = arith.cmpi ne, %convert_element_type3A_450, %cond3A_452 : i32
        scf.if %cond3A_453 {
          %dma_wait3A = arith.constant 0 : i32
          %dma_wait3A_460 = arith.constant 0 : i32
          %dma_wait3A_461 = tpu.memref_slice %arg6[%cond3A_451, %dma_wait3A, %dma_wait3A_460] : memref<5x128x128xf32, #tpu.memory_space<vmem>> -> memref<1x128x128xf32, #tpu.memory_space<vmem>>
          %dma_wait3A_462 = tpu.memref_squeeze %dma_wait3A_461 : memref<1x128x128xf32, #tpu.memory_space<vmem>> -> memref<128x128xf32, #tpu.memory_space<vmem>>
          %dma_wait3A_463 = arith.constant 0 : i32
          %dma_wait3A_464 = tpu.memref_slice %arg4[%mul3A_447, %dma_wait3A_463] : memref<100000x128xf32, #tpu.memory_space<hbm>> -> memref<128x128xf32, #tpu.memory_space<hbm>>
          %dma_wait3A_465 = arith.constant 0 : i32
          %dma_wait3A_466 = tpu.memref_slice %arg4[%mul3A_447, %dma_wait3A_465] : memref<100000x128xf32, #tpu.memory_space<hbm>> -> memref<128x128xf32, #tpu.memory_space<hbm>>
          %dma_wait3A_467 = arith.constant 0 : i32
          %dma_wait3A_468 = arith.constant 0 : i32
          %dma_wait3A_469 = tpu.memref_slice %arg6[%cond3A_451, %dma_wait3A_467, %dma_wait3A_468] : memref<5x128x128xf32, #tpu.memory_space<vmem>> -> memref<1x128x128xf32, #tpu.memory_space<vmem>>
          %dma_wait3A_470 = tpu.memref_squeeze %dma_wait3A_469 : memref<1x128x128xf32, #tpu.memory_space<vmem>> -> memref<128x128xf32, #tpu.memory_space<vmem>>
          tpu.wait_dma2 semaphore(%arg17 : memref<!tpu.dma_semaphore, #tpu.memory_space<semaphore_mem>>) src(%dma_wait3A_470 : memref<128x128xf32, #tpu.memory_space<vmem>>) dst(%dma_wait3A_466 : memref<128x128xf32, #tpu.memory_space<hbm>>)
        } else {
        }
        %eq3A_454 = arith.constant 781 : i32
        %eq3A_455 = arith.cmpi eq, %add3A_445, %eq3A_454 : i32
        %convert_element_type3A_456 = arith.extui %eq3A_455 : i1 to i32
        %cond3A_457 = arith.constant 3 : i32
        %cond3A_458 = arith.constant 0 : i32
        %cond3A_459 = arith.cmpi ne, %convert_element_type3A_456, %cond3A_458 : i32
        scf.if %cond3A_459 {
          %dma_wait3A = arith.constant 0 : i32
          %dma_wait3A_460 = arith.constant 0 : i32
          %dma_wait3A_461 = tpu.memref_slice %arg6[%cond3A_457, %dma_wait3A, %dma_wait3A_460] : memref<5x128x128xf32, #tpu.memory_space<vmem>> -> memref<1x32x128xf32, #tpu.memory_space<vmem>>
          %dma_wait3A_462 = tpu.memref_squeeze %dma_wait3A_461 : memref<1x32x128xf32, #tpu.memory_space<vmem>> -> memref<32x128xf32, #tpu.memory_space<vmem>>
          %dma_wait3A_463 = arith.constant 99968 : i32
          %dma_wait3A_464 = arith.constant 0 : i32
          %dma_wait3A_465 = tpu.memref_slice %arg4[%dma_wait3A_463, %dma_wait3A_464] : memref<100000x128xf32, #tpu.memory_space<hbm>> -> memref<32x128xf32, #tpu.memory_space<hbm>>
          %dma_wait3A_466 = arith.constant 99968 : i32
          %dma_wait3A_467 = arith.constant 0 : i32
          %dma_wait3A_468 = tpu.memref_slice %arg4[%dma_wait3A_466, %dma_wait3A_467] : memref<100000x128xf32, #tpu.memory_space<hbm>> -> memref<32x128xf32, #tpu.memory_space<hbm>>
          %dma_wait3A_469 = arith.constant 0 : i32
          %dma_wait3A_470 = arith.constant 0 : i32
          %dma_wait3A_471 = tpu.memref_slice %arg6[%cond3A_457, %dma_wait3A_469, %dma_wait3A_470] : memref<5x128x128xf32, #tpu.memory_space<vmem>> -> memref<1x32x128xf32, #tpu.memory_space<vmem>>
          %dma_wait3A_472 = tpu.memref_squeeze %dma_wait3A_471 : memref<1x32x128xf32, #tpu.memory_space<vmem>> -> memref<32x128xf32, #tpu.memory_space<vmem>>
          tpu.wait_dma2 semaphore(%arg17 : memref<!tpu.dma_semaphore, #tpu.memory_space<semaphore_mem>>) src(%dma_wait3A_472 : memref<32x128xf32, #tpu.memory_space<vmem>>) dst(%dma_wait3A_468 : memref<32x128xf32, #tpu.memory_space<hbm>>)
        } else {
        }
      } else {
      }
      %mul3A_193 = arith.constant 5 : i32
      %mul3A_194 = arith.muli %scan3A_110, %mul3A_193 : i32
      %add3A_195 = arith.constant 3 : i32
      %add3A_196 = arith.addi %mul3A_194, %add3A_195 : i32
      %add3A_197 = arith.addi %mul3A_2, %add3A_196 : i32
      %mul3A_198 = arith.constant 128 : i32
      %mul3A_199 = arith.muli %add3A_196, %mul3A_198 : i32
      %mul3A_200 = arith.constant 128 : i32
      %mul3A_201 = arith.muli %add3A_196, %mul3A_200 : i32
      %lt3A_202 = arith.constant 781 : i32
      %lt3A_203 = arith.cmpi slt, %add3A_197, %lt3A_202 : i32
      %convert_element_type3A_204 = arith.extui %lt3A_203 : i1 to i32
      %cond3A_205 = arith.constant 3 : i32
      %cond3A_206 = arith.constant 0 : i32
      %cond3A_207 = arith.cmpi ne, %convert_element_type3A_204, %cond3A_206 : i32
      scf.if %cond3A_207 {
        %dma_start3A = arith.constant 0 : i32
        %dma_start3A_440 = arith.constant 0 : i32
        %dma_start3A_441 = tpu.memref_slice %arg6[%cond3A_205, %dma_start3A, %dma_start3A_440] : memref<5x128x128xf32, #tpu.memory_space<vmem>> -> memref<1x128x128xf32, #tpu.memory_space<vmem>>
        %dma_start3A_442 = tpu.memref_squeeze %dma_start3A_441 : memref<1x128x128xf32, #tpu.memory_space<vmem>> -> memref<128x128xf32, #tpu.memory_space<vmem>>
        %dma_start3A_443 = tpu.memref_slice %arg5[%mul3A_199] : memref<3200xi32, #tpu.memory_space<vmem>> -> memref<128xi32, #tpu.memory_space<vmem>>
        %dma_start3A_444 = arith.constant 0 : i32
        %dma_start3A_445 = arith.constant 0 : i32
        %dma_start3A_446 = tpu.memref_slice %arg7[%dma_start3A_444, %dma_start3A_445] : memref<100x128xf32, #tpu.memory_space<vmem_shared>> -> memref<100x128xf32, #tpu.memory_space<vmem_shared>>
        tpu.enqueue_indirect_dma source(%dma_start3A_446 : memref<100x128xf32, #tpu.memory_space<vmem_shared>>) target(%dma_start3A_442 : memref<128x128xf32, #tpu.memory_space<vmem>>) offsets(%dma_start3A_443 : memref<128xi32, #tpu.memory_space<vmem>>) semaphore(%arg12 : memref<!tpu.dma_semaphore, #tpu.memory_space<semaphore_mem>>)
      } else {
      }
      %eq3A_208 = arith.constant 781 : i32
      %eq3A_209 = arith.cmpi eq, %add3A_197, %eq3A_208 : i32
      %convert_element_type3A_210 = arith.extui %eq3A_209 : i1 to i32
      %cond3A_211 = arith.constant 3 : i32
      %cond3A_212 = arith.constant 0 : i32
      %cond3A_213 = arith.cmpi ne, %convert_element_type3A_210, %cond3A_212 : i32
      scf.if %cond3A_213 {
        %dma_start3A = arith.constant 0 : i32
        %dma_start3A_440 = arith.constant 0 : i32
        %dma_start3A_441 = tpu.memref_slice %arg6[%cond3A_211, %dma_start3A, %dma_start3A_440] : memref<5x128x128xf32, #tpu.memory_space<vmem>> -> memref<1x32x128xf32, #tpu.memory_space<vmem>>
        %dma_start3A_442 = tpu.memref_squeeze %dma_start3A_441 : memref<1x32x128xf32, #tpu.memory_space<vmem>> -> memref<32x128xf32, #tpu.memory_space<vmem>>
        %dma_start3A_443 = tpu.memref_slice %arg5[%mul3A_201] : memref<3200xi32, #tpu.memory_space<vmem>> -> memref<32xi32, #tpu.memory_space<vmem>>
        %dma_start3A_444 = arith.constant 0 : i32
        %dma_start3A_445 = arith.constant 0 : i32
        %dma_start3A_446 = tpu.memref_slice %arg7[%dma_start3A_444, %dma_start3A_445] : memref<100x128xf32, #tpu.memory_space<vmem_shared>> -> memref<100x128xf32, #tpu.memory_space<vmem_shared>>
        tpu.enqueue_indirect_dma source(%dma_start3A_446 : memref<100x128xf32, #tpu.memory_space<vmem_shared>>) target(%dma_start3A_442 : memref<32x128xf32, #tpu.memory_space<vmem>>) offsets(%dma_start3A_443 : memref<32xi32, #tpu.memory_space<vmem>>) semaphore(%arg12 : memref<!tpu.dma_semaphore, #tpu.memory_space<semaphore_mem>>)
      } else {
      }
      %gt3A_214 = arith.constant 0 : i32
      %gt3A_215 = arith.cmpi sgt, %scan3A_110, %gt3A_214 : i32
      %convert_element_type3A_216 = arith.extui %gt3A_215 : i1 to i32
      %cond3A_217 = arith.constant 0 : i32
      %cond3A_218 = arith.cmpi ne, %convert_element_type3A_216, %cond3A_217 : i32
      scf.if %cond3A_218 {
        %sub3A = arith.constant 1 : i32
        %sub3A_440 = arith.subi %scan3A_110, %sub3A : i32
        %mul3A_441 = arith.constant 5 : i32
        %mul3A_442 = arith.muli %sub3A_440, %mul3A_441 : i32
        %add3A_443 = arith.constant 4 : i32
        %add3A_444 = arith.addi %mul3A_442, %add3A_443 : i32
        %add3A_445 = arith.addi %mul3A_2, %add3A_444 : i32
        %mul3A_446 = arith.constant 128 : i32
        %mul3A_447 = arith.muli %add3A_445, %mul3A_446 : i32
        %lt3A_448 = arith.constant 781 : i32
        %lt3A_449 = arith.cmpi slt, %add3A_445, %lt3A_448 : i32
        %convert_element_type3A_450 = arith.extui %lt3A_449 : i1 to i32
        %cond3A_451 = arith.constant 4 : i32
        %cond3A_452 = arith.constant 0 : i32
        %cond3A_453 = arith.cmpi ne, %convert_element_type3A_450, %cond3A_452 : i32
        scf.if %cond3A_453 {
          %dma_wait3A = arith.constant 0 : i32
          %dma_wait3A_460 = arith.constant 0 : i32
          %dma_wait3A_461 = tpu.memref_slice %arg6[%cond3A_451, %dma_wait3A, %dma_wait3A_460] : memref<5x128x128xf32, #tpu.memory_space<vmem>> -> memref<1x128x128xf32, #tpu.memory_space<vmem>>
          %dma_wait3A_462 = tpu.memref_squeeze %dma_wait3A_461 : memref<1x128x128xf32, #tpu.memory_space<vmem>> -> memref<128x128xf32, #tpu.memory_space<vmem>>
          %dma_wait3A_463 = arith.constant 0 : i32
          %dma_wait3A_464 = tpu.memref_slice %arg4[%mul3A_447, %dma_wait3A_463] : memref<100000x128xf32, #tpu.memory_space<hbm>> -> memref<128x128xf32, #tpu.memory_space<hbm>>
          %dma_wait3A_465 = arith.constant 0 : i32
          %dma_wait3A_466 = tpu.memref_slice %arg4[%mul3A_447, %dma_wait3A_465] : memref<100000x128xf32, #tpu.memory_space<hbm>> -> memref<128x128xf32, #tpu.memory_space<hbm>>
          %dma_wait3A_467 = arith.constant 0 : i32
          %dma_wait3A_468 = arith.constant 0 : i32
          %dma_wait3A_469 = tpu.memref_slice %arg6[%cond3A_451, %dma_wait3A_467, %dma_wait3A_468] : memref<5x128x128xf32, #tpu.memory_space<vmem>> -> memref<1x128x128xf32, #tpu.memory_space<vmem>>
          %dma_wait3A_470 = tpu.memref_squeeze %dma_wait3A_469 : memref<1x128x128xf32, #tpu.memory_space<vmem>> -> memref<128x128xf32, #tpu.memory_space<vmem>>
          tpu.wait_dma2 semaphore(%arg18 : memref<!tpu.dma_semaphore, #tpu.memory_space<semaphore_mem>>) src(%dma_wait3A_470 : memref<128x128xf32, #tpu.memory_space<vmem>>) dst(%dma_wait3A_466 : memref<128x128xf32, #tpu.memory_space<hbm>>)
        } else {
        }
        %eq3A_454 = arith.constant 781 : i32
        %eq3A_455 = arith.cmpi eq, %add3A_445, %eq3A_454 : i32
        %convert_element_type3A_456 = arith.extui %eq3A_455 : i1 to i32
        %cond3A_457 = arith.constant 4 : i32
        %cond3A_458 = arith.constant 0 : i32
        %cond3A_459 = arith.cmpi ne, %convert_element_type3A_456, %cond3A_458 : i32
        scf.if %cond3A_459 {
          %dma_wait3A = arith.constant 0 : i32
          %dma_wait3A_460 = arith.constant 0 : i32
          %dma_wait3A_461 = tpu.memref_slice %arg6[%cond3A_457, %dma_wait3A, %dma_wait3A_460] : memref<5x128x128xf32, #tpu.memory_space<vmem>> -> memref<1x32x128xf32, #tpu.memory_space<vmem>>
          %dma_wait3A_462 = tpu.memref_squeeze %dma_wait3A_461 : memref<1x32x128xf32, #tpu.memory_space<vmem>> -> memref<32x128xf32, #tpu.memory_space<vmem>>
          %dma_wait3A_463 = arith.constant 99968 : i32
          %dma_wait3A_464 = arith.constant 0 : i32
          %dma_wait3A_465 = tpu.memref_slice %arg4[%dma_wait3A_463, %dma_wait3A_464] : memref<100000x128xf32, #tpu.memory_space<hbm>> -> memref<32x128xf32, #tpu.memory_space<hbm>>
          %dma_wait3A_466 = arith.constant 99968 : i32
          %dma_wait3A_467 = arith.constant 0 : i32
          %dma_wait3A_468 = tpu.memref_slice %arg4[%dma_wait3A_466, %dma_wait3A_467] : memref<100000x128xf32, #tpu.memory_space<hbm>> -> memref<32x128xf32, #tpu.memory_space<hbm>>
          %dma_wait3A_469 = arith.constant 0 : i32
          %dma_wait3A_470 = arith.constant 0 : i32
          %dma_wait3A_471 = tpu.memref_slice %arg6[%cond3A_457, %dma_wait3A_469, %dma_wait3A_470] : memref<5x128x128xf32, #tpu.memory_space<vmem>> -> memref<1x32x128xf32, #tpu.memory_space<vmem>>
          %dma_wait3A_472 = tpu.memref_squeeze %dma_wait3A_471 : memref<1x32x128xf32, #tpu.memory_space<vmem>> -> memref<32x128xf32, #tpu.memory_space<vmem>>
          tpu.wait_dma2 semaphore(%arg18 : memref<!tpu.dma_semaphore, #tpu.memory_space<semaphore_mem>>) src(%dma_wait3A_472 : memref<32x128xf32, #tpu.memory_space<vmem>>) dst(%dma_wait3A_468 : memref<32x128xf32, #tpu.memory_space<hbm>>)
        } else {
        }
      } else {
      }
      %mul3A_219 = arith.constant 5 : i32
      %mul3A_220 = arith.muli %scan3A_110, %mul3A_219 : i32
      %add3A_221 = arith.constant 4 : i32
      %add3A_222 = arith.addi %mul3A_220, %add3A_221 : i32
      %add3A_223 = arith.addi %mul3A_2, %add3A_222 : i32
      %mul3A_224 = arith.constant 128 : i32
      %mul3A_225 = arith.muli %add3A_222, %mul3A_224 : i32
      %mul3A_226 = arith.constant 128 : i32
      %mul3A_227 = arith.muli %add3A_222, %mul3A_226 : i32
      %lt3A_228 = arith.constant 781 : i32
      %lt3A_229 = arith.cmpi slt, %add3A_223, %lt3A_228 : i32
      %convert_element_type3A_230 = arith.extui %lt3A_229 : i1 to i32
      %cond3A_231 = arith.constant 4 : i32
      %cond3A_232 = arith.constant 0 : i32
      %cond3A_233 = arith.cmpi ne, %convert_element_type3A_230, %cond3A_232 : i32
      scf.if %cond3A_233 {
        %dma_start3A = arith.constant 0 : i32
        %dma_start3A_440 = arith.constant 0 : i32
        %dma_start3A_441 = tpu.memref_slice %arg6[%cond3A_231, %dma_start3A, %dma_start3A_440] : memref<5x128x128xf32, #tpu.memory_space<vmem>> -> memref<1x128x128xf32, #tpu.memory_space<vmem>>
        %dma_start3A_442 = tpu.memref_squeeze %dma_start3A_441 : memref<1x128x128xf32, #tpu.memory_space<vmem>> -> memref<128x128xf32, #tpu.memory_space<vmem>>
        %dma_start3A_443 = tpu.memref_slice %arg5[%mul3A_225] : memref<3200xi32, #tpu.memory_space<vmem>> -> memref<128xi32, #tpu.memory_space<vmem>>
        %dma_start3A_444 = arith.constant 0 : i32
        %dma_start3A_445 = arith.constant 0 : i32
        %dma_start3A_446 = tpu.memref_slice %arg7[%dma_start3A_444, %dma_start3A_445] : memref<100x128xf32, #tpu.memory_space<vmem_shared>> -> memref<100x128xf32, #tpu.memory_space<vmem_shared>>
        tpu.enqueue_indirect_dma source(%dma_start3A_446 : memref<100x128xf32, #tpu.memory_space<vmem_shared>>) target(%dma_start3A_442 : memref<128x128xf32, #tpu.memory_space<vmem>>) offsets(%dma_start3A_443 : memref<128xi32, #tpu.memory_space<vmem>>) semaphore(%arg13 : memref<!tpu.dma_semaphore, #tpu.memory_space<semaphore_mem>>)
      } else {
      }
      %eq3A_234 = arith.constant 781 : i32
      %eq3A_235 = arith.cmpi eq, %add3A_223, %eq3A_234 : i32
      %convert_element_type3A_236 = arith.extui %eq3A_235 : i1 to i32
      %cond3A_237 = arith.constant 4 : i32
      %cond3A_238 = arith.constant 0 : i32
      %cond3A_239 = arith.cmpi ne, %convert_element_type3A_236, %cond3A_238 : i32
      scf.if %cond3A_239 {
        %dma_start3A = arith.constant 0 : i32
        %dma_start3A_440 = arith.constant 0 : i32
        %dma_start3A_441 = tpu.memref_slice %arg6[%cond3A_237, %dma_start3A, %dma_start3A_440] : memref<5x128x128xf32, #tpu.memory_space<vmem>> -> memref<1x32x128xf32, #tpu.memory_space<vmem>>
        %dma_start3A_442 = tpu.memref_squeeze %dma_start3A_441 : memref<1x32x128xf32, #tpu.memory_space<vmem>> -> memref<32x128xf32, #tpu.memory_space<vmem>>
        %dma_start3A_443 = tpu.memref_slice %arg5[%mul3A_227] : memref<3200xi32, #tpu.memory_space<vmem>> -> memref<32xi32, #tpu.memory_space<vmem>>
        %dma_start3A_444 = arith.constant 0 : i32
        %dma_start3A_445 = arith.constant 0 : i32
        %dma_start3A_446 = tpu.memref_slice %arg7[%dma_start3A_444, %dma_start3A_445] : memref<100x128xf32, #tpu.memory_space<vmem_shared>> -> memref<100x128xf32, #tpu.memory_space<vmem_shared>>
        tpu.enqueue_indirect_dma source(%dma_start3A_446 : memref<100x128xf32, #tpu.memory_space<vmem_shared>>) target(%dma_start3A_442 : memref<32x128xf32, #tpu.memory_space<vmem>>) offsets(%dma_start3A_443 : memref<32xi32, #tpu.memory_space<vmem>>) semaphore(%arg13 : memref<!tpu.dma_semaphore, #tpu.memory_space<semaphore_mem>>)
      } else {
      }
      %mul3A_240 = arith.constant 5 : i32
      %mul3A_241 = arith.muli %scan3A_110, %mul3A_240 : i32
      %add3A_242 = arith.constant 0 : i32
      %add3A_243 = arith.addi %mul3A_241, %add3A_242 : i32
      %add3A_244 = arith.addi %mul3A_2, %add3A_243 : i32
      %mul3A_245 = arith.constant 128 : i32
      %mul3A_246 = arith.muli %add3A_243, %mul3A_245 : i32
      %mul3A_247 = arith.constant 128 : i32
      %mul3A_248 = arith.muli %add3A_243, %mul3A_247 : i32
      %lt3A_249 = arith.constant 781 : i32
      %lt3A_250 = arith.cmpi slt, %add3A_244, %lt3A_249 : i32
      %convert_element_type3A_251 = arith.extui %lt3A_250 : i1 to i32
      %cond3A_252 = arith.constant 0 : i32
      %cond3A_253 = arith.constant 0 : i32
      %cond3A_254 = arith.cmpi ne, %convert_element_type3A_251, %cond3A_253 : i32
      scf.if %cond3A_254 {
        %dma_wait3A = arith.constant 0 : i32
        %dma_wait3A_440 = arith.constant 0 : i32
        %dma_wait3A_441 = tpu.memref_slice %arg6[%cond3A_252, %dma_wait3A, %dma_wait3A_440] : memref<5x128x128xf32, #tpu.memory_space<vmem>> -> memref<1x128x128xf32, #tpu.memory_space<vmem>>
        %dma_wait3A_442 = tpu.memref_squeeze %dma_wait3A_441 : memref<1x128x128xf32, #tpu.memory_space<vmem>> -> memref<128x128xf32, #tpu.memory_space<vmem>>
        %dma_wait3A_443 = tpu.memref_slice %arg5[%mul3A_246] : memref<3200xi32, #tpu.memory_space<vmem>> -> memref<128xi32, #tpu.memory_space<vmem>>
        %dma_wait3A_444 = arith.constant 0 : i32
        %dma_wait3A_445 = arith.constant 0 : i32
        %dma_wait3A_446 = tpu.memref_slice %arg7[%dma_wait3A_444, %dma_wait3A_445] : memref<100x128xf32, #tpu.memory_space<vmem_shared>> -> memref<100x128xf32, #tpu.memory_space<vmem_shared>>
        tpu.wait_indirect_dma semaphore(%arg9 : memref<!tpu.dma_semaphore, #tpu.memory_space<semaphore_mem>>) src(%dma_wait3A_446 : memref<100x128xf32, #tpu.memory_space<vmem_shared>>) dst(%dma_wait3A_442 : memref<128x128xf32, #tpu.memory_space<vmem>>)
      } else {
      }
      %eq3A_255 = arith.constant 781 : i32
      %eq3A_256 = arith.cmpi eq, %add3A_244, %eq3A_255 : i32
      %convert_element_type3A_257 = arith.extui %eq3A_256 : i1 to i32
      %cond3A_258 = arith.constant 0 : i32
      %cond3A_259 = arith.constant 0 : i32
      %cond3A_260 = arith.cmpi ne, %convert_element_type3A_257, %cond3A_259 : i32
      scf.if %cond3A_260 {
        %dma_wait3A = arith.constant 0 : i32
        %dma_wait3A_440 = arith.constant 0 : i32
        %dma_wait3A_441 = tpu.memref_slice %arg6[%cond3A_258, %dma_wait3A, %dma_wait3A_440] : memref<5x128x128xf32, #tpu.memory_space<vmem>> -> memref<1x32x128xf32, #tpu.memory_space<vmem>>
        %dma_wait3A_442 = tpu.memref_squeeze %dma_wait3A_441 : memref<1x32x128xf32, #tpu.memory_space<vmem>> -> memref<32x128xf32, #tpu.memory_space<vmem>>
        %dma_wait3A_443 = tpu.memref_slice %arg5[%mul3A_248] : memref<3200xi32, #tpu.memory_space<vmem>> -> memref<32xi32, #tpu.memory_space<vmem>>
        %dma_wait3A_444 = arith.constant 0 : i32
        %dma_wait3A_445 = arith.constant 0 : i32
        %dma_wait3A_446 = tpu.memref_slice %arg7[%dma_wait3A_444, %dma_wait3A_445] : memref<100x128xf32, #tpu.memory_space<vmem_shared>> -> memref<100x128xf32, #tpu.memory_space<vmem_shared>>
        tpu.wait_indirect_dma semaphore(%arg9 : memref<!tpu.dma_semaphore, #tpu.memory_space<semaphore_mem>>) src(%dma_wait3A_446 : memref<100x128xf32, #tpu.memory_space<vmem_shared>>) dst(%dma_wait3A_442 : memref<32x128xf32, #tpu.memory_space<vmem>>)
      } else {
      }
      %mul3A_261 = arith.constant 5 : i32
      %mul3A_262 = arith.muli %scan3A_110, %mul3A_261 : i32
      %add3A_263 = arith.constant 0 : i32
      %add3A_264 = arith.addi %mul3A_262, %add3A_263 : i32
      %add3A_265 = arith.addi %mul3A_2, %add3A_264 : i32
      %mul3A_266 = arith.constant 128 : i32
      %mul3A_267 = arith.muli %add3A_265, %mul3A_266 : i32
      %lt3A_268 = arith.constant 781 : i32
      %lt3A_269 = arith.cmpi slt, %add3A_265, %lt3A_268 : i32
      %convert_element_type3A_270 = arith.extui %lt3A_269 : i1 to i32
      %cond3A_271 = arith.constant 0 : i32
      %cond3A_272 = arith.constant 0 : i32
      %cond3A_273 = arith.cmpi ne, %convert_element_type3A_270, %cond3A_272 : i32
      scf.if %cond3A_273 {
        %dma_start3A = arith.constant 0 : i32
        %dma_start3A_440 = arith.constant 0 : i32
        %dma_start3A_441 = tpu.memref_slice %arg6[%cond3A_271, %dma_start3A, %dma_start3A_440] : memref<5x128x128xf32, #tpu.memory_space<vmem>> -> memref<1x128x128xf32, #tpu.memory_space<vmem>>
        %dma_start3A_442 = tpu.memref_squeeze %dma_start3A_441 : memref<1x128x128xf32, #tpu.memory_space<vmem>> -> memref<128x128xf32, #tpu.memory_space<vmem>>
        %dma_start3A_443 = arith.constant 0 : i32
        %dma_start3A_444 = tpu.memref_slice %arg4[%mul3A_267, %dma_start3A_443] : memref<100000x128xf32, #tpu.memory_space<hbm>> -> memref<128x128xf32, #tpu.memory_space<hbm>>
        %dma_start3A_445 = arith.constant 0 : i32
        %dma_start3A_446 = tpu.memref_slice %arg4[%mul3A_267, %dma_start3A_445] : memref<100000x128xf32, #tpu.memory_space<hbm>> -> memref<128x128xf32, #tpu.memory_space<hbm>>
        %dma_start3A_447 = arith.constant 0 : i32
        %dma_start3A_448 = arith.constant 0 : i32
        %dma_start3A_449 = tpu.memref_slice %arg6[%cond3A_271, %dma_start3A_447, %dma_start3A_448] : memref<5x128x128xf32, #tpu.memory_space<vmem>> -> memref<1x128x128xf32, #tpu.memory_space<vmem>>
        %dma_start3A_450 = tpu.memref_squeeze %dma_start3A_449 : memref<1x128x128xf32, #tpu.memory_space<vmem>> -> memref<128x128xf32, #tpu.memory_space<vmem>>
        tpu.enqueue_dma source(%dma_start3A_450 : memref<128x128xf32, #tpu.memory_space<vmem>>) target(%dma_start3A_446 : memref<128x128xf32, #tpu.memory_space<hbm>>) target_semaphore(%arg14 : memref<!tpu.dma_semaphore, #tpu.memory_space<semaphore_mem>>)
      } else {
      }
      %eq3A_274 = arith.constant 781 : i32
      %eq3A_275 = arith.cmpi eq, %add3A_265, %eq3A_274 : i32
      %convert_element_type3A_276 = arith.extui %eq3A_275 : i1 to i32
      %cond3A_277 = arith.constant 0 : i32
      %cond3A_278 = arith.constant 0 : i32
      %cond3A_279 = arith.cmpi ne, %convert_element_type3A_276, %cond3A_278 : i32
      scf.if %cond3A_279 {
        %dma_start3A = arith.constant 0 : i32
        %dma_start3A_440 = arith.constant 0 : i32
        %dma_start3A_441 = tpu.memref_slice %arg6[%cond3A_277, %dma_start3A, %dma_start3A_440] : memref<5x128x128xf32, #tpu.memory_space<vmem>> -> memref<1x32x128xf32, #tpu.memory_space<vmem>>
        %dma_start3A_442 = tpu.memref_squeeze %dma_start3A_441 : memref<1x32x128xf32, #tpu.memory_space<vmem>> -> memref<32x128xf32, #tpu.memory_space<vmem>>
        %dma_start3A_443 = arith.constant 99968 : i32
        %dma_start3A_444 = arith.constant 0 : i32
        %dma_start3A_445 = tpu.memref_slice %arg4[%dma_start3A_443, %dma_start3A_444] : memref<100000x128xf32, #tpu.memory_space<hbm>> -> memref<32x128xf32, #tpu.memory_space<hbm>>
        %dma_start3A_446 = arith.constant 99968 : i32
        %dma_start3A_447 = arith.constant 0 : i32
        %dma_start3A_448 = tpu.memref_slice %arg4[%dma_start3A_446, %dma_start3A_447] : memref<100000x128xf32, #tpu.memory_space<hbm>> -> memref<32x128xf32, #tpu.memory_space<hbm>>
        %dma_start3A_449 = arith.constant 0 : i32
        %dma_start3A_450 = arith.constant 0 : i32
        %dma_start3A_451 = tpu.memref_slice %arg6[%cond3A_277, %dma_start3A_449, %dma_start3A_450] : memref<5x128x128xf32, #tpu.memory_space<vmem>> -> memref<1x32x128xf32, #tpu.memory_space<vmem>>
        %dma_start3A_452 = tpu.memref_squeeze %dma_start3A_451 : memref<1x32x128xf32, #tpu.memory_space<vmem>> -> memref<32x128xf32, #tpu.memory_space<vmem>>
        tpu.enqueue_dma source(%dma_start3A_452 : memref<32x128xf32, #tpu.memory_space<vmem>>) target(%dma_start3A_448 : memref<32x128xf32, #tpu.memory_space<hbm>>) target_semaphore(%arg14 : memref<!tpu.dma_semaphore, #tpu.memory_space<semaphore_mem>>)
      } else {
      }
      %mul3A_280 = arith.constant 5 : i32
      %mul3A_281 = arith.muli %scan3A_110, %mul3A_280 : i32
      %add3A_282 = arith.constant 1 : i32
      %add3A_283 = arith.addi %mul3A_281, %add3A_282 : i32
      %add3A_284 = arith.addi %mul3A_2, %add3A_283 : i32
      %mul3A_285 = arith.constant 128 : i32
      %mul3A_286 = arith.muli %add3A_283, %mul3A_285 : i32
      %mul3A_287 = arith.constant 128 : i32
      %mul3A_288 = arith.muli %add3A_283, %mul3A_287 : i32
      %lt3A_289 = arith.constant 781 : i32
      %lt3A_290 = arith.cmpi slt, %add3A_284, %lt3A_289 : i32
      %convert_element_type3A_291 = arith.extui %lt3A_290 : i1 to i32
      %cond3A_292 = arith.constant 1 : i32
      %cond3A_293 = arith.constant 0 : i32
      %cond3A_294 = arith.cmpi ne, %convert_element_type3A_291, %cond3A_293 : i32
      scf.if %cond3A_294 {
        %dma_wait3A = arith.constant 0 : i32
        %dma_wait3A_440 = arith.constant 0 : i32
        %dma_wait3A_441 = tpu.memref_slice %arg6[%cond3A_292, %dma_wait3A, %dma_wait3A_440] : memref<5x128x128xf32, #tpu.memory_space<vmem>> -> memref<1x128x128xf32, #tpu.memory_space<vmem>>
        %dma_wait3A_442 = tpu.memref_squeeze %dma_wait3A_441 : memref<1x128x128xf32, #tpu.memory_space<vmem>> -> memref<128x128xf32, #tpu.memory_space<vmem>>
        %dma_wait3A_443 = tpu.memref_slice %arg5[%mul3A_286] : memref<3200xi32, #tpu.memory_space<vmem>> -> memref<128xi32, #tpu.memory_space<vmem>>
        %dma_wait3A_444 = arith.constant 0 : i32
        %dma_wait3A_445 = arith.constant 0 : i32
        %dma_wait3A_446 = tpu.memref_slice %arg7[%dma_wait3A_444, %dma_wait3A_445] : memref<100x128xf32, #tpu.memory_space<vmem_shared>> -> memref<100x128xf32, #tpu.memory_space<vmem_shared>>
        tpu.wait_indirect_dma semaphore(%arg10 : memref<!tpu.dma_semaphore, #tpu.memory_space<semaphore_mem>>) src(%dma_wait3A_446 : memref<100x128xf32, #tpu.memory_space<vmem_shared>>) dst(%dma_wait3A_442 : memref<128x128xf32, #tpu.memory_space<vmem>>)
      } else {
      }
      %eq3A_295 = arith.constant 781 : i32
      %eq3A_296 = arith.cmpi eq, %add3A_284, %eq3A_295 : i32
      %convert_element_type3A_297 = arith.extui %eq3A_296 : i1 to i32
      %cond3A_298 = arith.constant 1 : i32
      %cond3A_299 = arith.constant 0 : i32
      %cond3A_300 = arith.cmpi ne, %convert_element_type3A_297, %cond3A_299 : i32
      scf.if %cond3A_300 {
        %dma_wait3A = arith.constant 0 : i32
        %dma_wait3A_440 = arith.constant 0 : i32
        %dma_wait3A_441 = tpu.memref_slice %arg6[%cond3A_298, %dma_wait3A, %dma_wait3A_440] : memref<5x128x128xf32, #tpu.memory_space<vmem>> -> memref<1x32x128xf32, #tpu.memory_space<vmem>>
        %dma_wait3A_442 = tpu.memref_squeeze %dma_wait3A_441 : memref<1x32x128xf32, #tpu.memory_space<vmem>> -> memref<32x128xf32, #tpu.memory_space<vmem>>
        %dma_wait3A_443 = tpu.memref_slice %arg5[%mul3A_288] : memref<3200xi32, #tpu.memory_space<vmem>> -> memref<32xi32, #tpu.memory_space<vmem>>
        %dma_wait3A_444 = arith.constant 0 : i32
        %dma_wait3A_445 = arith.constant 0 : i32
        %dma_wait3A_446 = tpu.memref_slice %arg7[%dma_wait3A_444, %dma_wait3A_445] : memref<100x128xf32, #tpu.memory_space<vmem_shared>> -> memref<100x128xf32, #tpu.memory_space<vmem_shared>>
        tpu.wait_indirect_dma semaphore(%arg10 : memref<!tpu.dma_semaphore, #tpu.memory_space<semaphore_mem>>) src(%dma_wait3A_446 : memref<100x128xf32, #tpu.memory_space<vmem_shared>>) dst(%dma_wait3A_442 : memref<32x128xf32, #tpu.memory_space<vmem>>)
      } else {
      }
      %mul3A_301 = arith.constant 5 : i32
      %mul3A_302 = arith.muli %scan3A_110, %mul3A_301 : i32
      %add3A_303 = arith.constant 1 : i32
      %add3A_304 = arith.addi %mul3A_302, %add3A_303 : i32
      %add3A_305 = arith.addi %mul3A_2, %add3A_304 : i32
      %mul3A_306 = arith.constant 128 : i32
      %mul3A_307 = arith.muli %add3A_305, %mul3A_306 : i32
      %lt3A_308 = arith.constant 781 : i32
      %lt3A_309 = arith.cmpi slt, %add3A_305, %lt3A_308 : i32
      %convert_element_type3A_310 = arith.extui %lt3A_309 : i1 to i32
      %cond3A_311 = arith.constant 1 : i32
      %cond3A_312 = arith.constant 0 : i32
      %cond3A_313 = arith.cmpi ne, %convert_element_type3A_310, %cond3A_312 : i32
      scf.if %cond3A_313 {
        %dma_start3A = arith.constant 0 : i32
        %dma_start3A_440 = arith.constant 0 : i32
        %dma_start3A_441 = tpu.memref_slice %arg6[%cond3A_311, %dma_start3A, %dma_start3A_440] : memref<5x128x128xf32, #tpu.memory_space<vmem>> -> memref<1x128x128xf32, #tpu.memory_space<vmem>>
        %dma_start3A_442 = tpu.memref_squeeze %dma_start3A_441 : memref<1x128x128xf32, #tpu.memory_space<vmem>> -> memref<128x128xf32, #tpu.memory_space<vmem>>
        %dma_start3A_443 = arith.constant 0 : i32
        %dma_start3A_444 = tpu.memref_slice %arg4[%mul3A_307, %dma_start3A_443] : memref<100000x128xf32, #tpu.memory_space<hbm>> -> memref<128x128xf32, #tpu.memory_space<hbm>>
        %dma_start3A_445 = arith.constant 0 : i32
        %dma_start3A_446 = tpu.memref_slice %arg4[%mul3A_307, %dma_start3A_445] : memref<100000x128xf32, #tpu.memory_space<hbm>> -> memref<128x128xf32, #tpu.memory_space<hbm>>
        %dma_start3A_447 = arith.constant 0 : i32
        %dma_start3A_448 = arith.constant 0 : i32
        %dma_start3A_449 = tpu.memref_slice %arg6[%cond3A_311, %dma_start3A_447, %dma_start3A_448] : memref<5x128x128xf32, #tpu.memory_space<vmem>> -> memref<1x128x128xf32, #tpu.memory_space<vmem>>
        %dma_start3A_450 = tpu.memref_squeeze %dma_start3A_449 : memref<1x128x128xf32, #tpu.memory_space<vmem>> -> memref<128x128xf32, #tpu.memory_space<vmem>>
        tpu.enqueue_dma source(%dma_start3A_450 : memref<128x128xf32, #tpu.memory_space<vmem>>) target(%dma_start3A_446 : memref<128x128xf32, #tpu.memory_space<hbm>>) target_semaphore(%arg15 : memref<!tpu.dma_semaphore, #tpu.memory_space<semaphore_mem>>)
      } else {
      }
      %eq3A_314 = arith.constant 781 : i32
      %eq3A_315 = arith.cmpi eq, %add3A_305, %eq3A_314 : i32
      %convert_element_type3A_316 = arith.extui %eq3A_315 : i1 to i32
      %cond3A_317 = arith.constant 1 : i32
      %cond3A_318 = arith.constant 0 : i32
      %cond3A_319 = arith.cmpi ne, %convert_element_type3A_316, %cond3A_318 : i32
      scf.if %cond3A_319 {
        %dma_start3A = arith.constant 0 : i32
        %dma_start3A_440 = arith.constant 0 : i32
        %dma_start3A_441 = tpu.memref_slice %arg6[%cond3A_317, %dma_start3A, %dma_start3A_440] : memref<5x128x128xf32, #tpu.memory_space<vmem>> -> memref<1x32x128xf32, #tpu.memory_space<vmem>>
        %dma_start3A_442 = tpu.memref_squeeze %dma_start3A_441 : memref<1x32x128xf32, #tpu.memory_space<vmem>> -> memref<32x128xf32, #tpu.memory_space<vmem>>
        %dma_start3A_443 = arith.constant 99968 : i32
        %dma_start3A_444 = arith.constant 0 : i32
        %dma_start3A_445 = tpu.memref_slice %arg4[%dma_start3A_443, %dma_start3A_444] : memref<100000x128xf32, #tpu.memory_space<hbm>> -> memref<32x128xf32, #tpu.memory_space<hbm>>
        %dma_start3A_446 = arith.constant 99968 : i32
        %dma_start3A_447 = arith.constant 0 : i32
        %dma_start3A_448 = tpu.memref_slice %arg4[%dma_start3A_446, %dma_start3A_447] : memref<100000x128xf32, #tpu.memory_space<hbm>> -> memref<32x128xf32, #tpu.memory_space<hbm>>
        %dma_start3A_449 = arith.constant 0 : i32
        %dma_start3A_450 = arith.constant 0 : i32
        %dma_start3A_451 = tpu.memref_slice %arg6[%cond3A_317, %dma_start3A_449, %dma_start3A_450] : memref<5x128x128xf32, #tpu.memory_space<vmem>> -> memref<1x32x128xf32, #tpu.memory_space<vmem>>
        %dma_start3A_452 = tpu.memref_squeeze %dma_start3A_451 : memref<1x32x128xf32, #tpu.memory_space<vmem>> -> memref<32x128xf32, #tpu.memory_space<vmem>>
        tpu.enqueue_dma source(%dma_start3A_452 : memref<32x128xf32, #tpu.memory_space<vmem>>) target(%dma_start3A_448 : memref<32x128xf32, #tpu.memory_space<hbm>>) target_semaphore(%arg15 : memref<!tpu.dma_semaphore, #tpu.memory_space<semaphore_mem>>)
      } else {
      }
      %mul3A_320 = arith.constant 5 : i32
      %mul3A_321 = arith.muli %scan3A_110, %mul3A_320 : i32
      %add3A_322 = arith.constant 2 : i32
      %add3A_323 = arith.addi %mul3A_321, %add3A_322 : i32
      %add3A_324 = arith.addi %mul3A_2, %add3A_323 : i32
      %mul3A_325 = arith.constant 128 : i32
      %mul3A_326 = arith.muli %add3A_323, %mul3A_325 : i32
      %mul3A_327 = arith.constant 128 : i32
      %mul3A_328 = arith.muli %add3A_323, %mul3A_327 : i32
      %lt3A_329 = arith.constant 781 : i32
      %lt3A_330 = arith.cmpi slt, %add3A_324, %lt3A_329 : i32
      %convert_element_type3A_331 = arith.extui %lt3A_330 : i1 to i32
      %cond3A_332 = arith.constant 2 : i32
      %cond3A_333 = arith.constant 0 : i32
      %cond3A_334 = arith.cmpi ne, %convert_element_type3A_331, %cond3A_333 : i32
      scf.if %cond3A_334 {
        %dma_wait3A = arith.constant 0 : i32
        %dma_wait3A_440 = arith.constant 0 : i32
        %dma_wait3A_441 = tpu.memref_slice %arg6[%cond3A_332, %dma_wait3A, %dma_wait3A_440] : memref<5x128x128xf32, #tpu.memory_space<vmem>> -> memref<1x128x128xf32, #tpu.memory_space<vmem>>
        %dma_wait3A_442 = tpu.memref_squeeze %dma_wait3A_441 : memref<1x128x128xf32, #tpu.memory_space<vmem>> -> memref<128x128xf32, #tpu.memory_space<vmem>>
        %dma_wait3A_443 = tpu.memref_slice %arg5[%mul3A_326] : memref<3200xi32, #tpu.memory_space<vmem>> -> memref<128xi32, #tpu.memory_space<vmem>>
        %dma_wait3A_444 = arith.constant 0 : i32
        %dma_wait3A_445 = arith.constant 0 : i32
        %dma_wait3A_446 = tpu.memref_slice %arg7[%dma_wait3A_444, %dma_wait3A_445] : memref<100x128xf32, #tpu.memory_space<vmem_shared>> -> memref<100x128xf32, #tpu.memory_space<vmem_shared>>
        tpu.wait_indirect_dma semaphore(%arg11 : memref<!tpu.dma_semaphore, #tpu.memory_space<semaphore_mem>>) src(%dma_wait3A_446 : memref<100x128xf32, #tpu.memory_space<vmem_shared>>) dst(%dma_wait3A_442 : memref<128x128xf32, #tpu.memory_space<vmem>>)
      } else {
      }
      %eq3A_335 = arith.constant 781 : i32
      %eq3A_336 = arith.cmpi eq, %add3A_324, %eq3A_335 : i32
      %convert_element_type3A_337 = arith.extui %eq3A_336 : i1 to i32
      %cond3A_338 = arith.constant 2 : i32
      %cond3A_339 = arith.constant 0 : i32
      %cond3A_340 = arith.cmpi ne, %convert_element_type3A_337, %cond3A_339 : i32
      scf.if %cond3A_340 {
        %dma_wait3A = arith.constant 0 : i32
        %dma_wait3A_440 = arith.constant 0 : i32
        %dma_wait3A_441 = tpu.memref_slice %arg6[%cond3A_338, %dma_wait3A, %dma_wait3A_440] : memref<5x128x128xf32, #tpu.memory_space<vmem>> -> memref<1x32x128xf32, #tpu.memory_space<vmem>>
        %dma_wait3A_442 = tpu.memref_squeeze %dma_wait3A_441 : memref<1x32x128xf32, #tpu.memory_space<vmem>> -> memref<32x128xf32, #tpu.memory_space<vmem>>
        %dma_wait3A_443 = tpu.memref_slice %arg5[%mul3A_328] : memref<3200xi32, #tpu.memory_space<vmem>> -> memref<32xi32, #tpu.memory_space<vmem>>
        %dma_wait3A_444 = arith.constant 0 : i32
        %dma_wait3A_445 = arith.constant 0 : i32
        %dma_wait3A_446 = tpu.memref_slice %arg7[%dma_wait3A_444, %dma_wait3A_445] : memref<100x128xf32, #tpu.memory_space<vmem_shared>> -> memref<100x128xf32, #tpu.memory_space<vmem_shared>>
        tpu.wait_indirect_dma semaphore(%arg11 : memref<!tpu.dma_semaphore, #tpu.memory_space<semaphore_mem>>) src(%dma_wait3A_446 : memref<100x128xf32, #tpu.memory_space<vmem_shared>>) dst(%dma_wait3A_442 : memref<32x128xf32, #tpu.memory_space<vmem>>)
      } else {
      }
      %mul3A_341 = arith.constant 5 : i32
      %mul3A_342 = arith.muli %scan3A_110, %mul3A_341 : i32
      %add3A_343 = arith.constant 2 : i32
      %add3A_344 = arith.addi %mul3A_342, %add3A_343 : i32
      %add3A_345 = arith.addi %mul3A_2, %add3A_344 : i32
      %mul3A_346 = arith.constant 128 : i32
      %mul3A_347 = arith.muli %add3A_345, %mul3A_346 : i32
      %lt3A_348 = arith.constant 781 : i32
      %lt3A_349 = arith.cmpi slt, %add3A_345, %lt3A_348 : i32
      %convert_element_type3A_350 = arith.extui %lt3A_349 : i1 to i32
      %cond3A_351 = arith.constant 2 : i32
      %cond3A_352 = arith.constant 0 : i32
      %cond3A_353 = arith.cmpi ne, %convert_element_type3A_350, %cond3A_352 : i32
      scf.if %cond3A_353 {
        %dma_start3A = arith.constant 0 : i32
        %dma_start3A_440 = arith.constant 0 : i32
        %dma_start3A_441 = tpu.memref_slice %arg6[%cond3A_351, %dma_start3A, %dma_start3A_440] : memref<5x128x128xf32, #tpu.memory_space<vmem>> -> memref<1x128x128xf32, #tpu.memory_space<vmem>>
        %dma_start3A_442 = tpu.memref_squeeze %dma_start3A_441 : memref<1x128x128xf32, #tpu.memory_space<vmem>> -> memref<128x128xf32, #tpu.memory_space<vmem>>
        %dma_start3A_443 = arith.constant 0 : i32
        %dma_start3A_444 = tpu.memref_slice %arg4[%mul3A_347, %dma_start3A_443] : memref<100000x128xf32, #tpu.memory_space<hbm>> -> memref<128x128xf32, #tpu.memory_space<hbm>>
        %dma_start3A_445 = arith.constant 0 : i32
        %dma_start3A_446 = tpu.memref_slice %arg4[%mul3A_347, %dma_start3A_445] : memref<100000x128xf32, #tpu.memory_space<hbm>> -> memref<128x128xf32, #tpu.memory_space<hbm>>
        %dma_start3A_447 = arith.constant 0 : i32
        %dma_start3A_448 = arith.constant 0 : i32
        %dma_start3A_449 = tpu.memref_slice %arg6[%cond3A_351, %dma_start3A_447, %dma_start3A_448] : memref<5x128x128xf32, #tpu.memory_space<vmem>> -> memref<1x128x128xf32, #tpu.memory_space<vmem>>
        %dma_start3A_450 = tpu.memref_squeeze %dma_start3A_449 : memref<1x128x128xf32, #tpu.memory_space<vmem>> -> memref<128x128xf32, #tpu.memory_space<vmem>>
        tpu.enqueue_dma source(%dma_start3A_450 : memref<128x128xf32, #tpu.memory_space<vmem>>) target(%dma_start3A_446 : memref<128x128xf32, #tpu.memory_space<hbm>>) target_semaphore(%arg16 : memref<!tpu.dma_semaphore, #tpu.memory_space<semaphore_mem>>)
      } else {
      }
      %eq3A_354 = arith.constant 781 : i32
      %eq3A_355 = arith.cmpi eq, %add3A_345, %eq3A_354 : i32
      %convert_element_type3A_356 = arith.extui %eq3A_355 : i1 to i32
      %cond3A_357 = arith.constant 2 : i32
      %cond3A_358 = arith.constant 0 : i32
      %cond3A_359 = arith.cmpi ne, %convert_element_type3A_356, %cond3A_358 : i32
      scf.if %cond3A_359 {
        %dma_start3A = arith.constant 0 : i32
        %dma_start3A_440 = arith.constant 0 : i32
        %dma_start3A_441 = tpu.memref_slice %arg6[%cond3A_357, %dma_start3A, %dma_start3A_440] : memref<5x128x128xf32, #tpu.memory_space<vmem>> -> memref<1x32x128xf32, #tpu.memory_space<vmem>>
        %dma_start3A_442 = tpu.memref_squeeze %dma_start3A_441 : memref<1x32x128xf32, #tpu.memory_space<vmem>> -> memref<32x128xf32, #tpu.memory_space<vmem>>
        %dma_start3A_443 = arith.constant 99968 : i32
        %dma_start3A_444 = arith.constant 0 : i32
        %dma_start3A_445 = tpu.memref_slice %arg4[%dma_start3A_443, %dma_start3A_444] : memref<100000x128xf32, #tpu.memory_space<hbm>> -> memref<32x128xf32, #tpu.memory_space<hbm>>
        %dma_start3A_446 = arith.constant 99968 : i32
        %dma_start3A_447 = arith.constant 0 : i32
        %dma_start3A_448 = tpu.memref_slice %arg4[%dma_start3A_446, %dma_start3A_447] : memref<100000x128xf32, #tpu.memory_space<hbm>> -> memref<32x128xf32, #tpu.memory_space<hbm>>
        %dma_start3A_449 = arith.constant 0 : i32
        %dma_start3A_450 = arith.constant 0 : i32
        %dma_start3A_451 = tpu.memref_slice %arg6[%cond3A_357, %dma_start3A_449, %dma_start3A_450] : memref<5x128x128xf32, #tpu.memory_space<vmem>> -> memref<1x32x128xf32, #tpu.memory_space<vmem>>
        %dma_start3A_452 = tpu.memref_squeeze %dma_start3A_451 : memref<1x32x128xf32, #tpu.memory_space<vmem>> -> memref<32x128xf32, #tpu.memory_space<vmem>>
        tpu.enqueue_dma source(%dma_start3A_452 : memref<32x128xf32, #tpu.memory_space<vmem>>) target(%dma_start3A_448 : memref<32x128xf32, #tpu.memory_space<hbm>>) target_semaphore(%arg16 : memref<!tpu.dma_semaphore, #tpu.memory_space<semaphore_mem>>)
      } else {
      }
      %mul3A_360 = arith.constant 5 : i32
      %mul3A_361 = arith.muli %scan3A_110, %mul3A_360 : i32
      %add3A_362 = arith.constant 3 : i32
      %add3A_363 = arith.addi %mul3A_361, %add3A_362 : i32
      %add3A_364 = arith.addi %mul3A_2, %add3A_363 : i32
      %mul3A_365 = arith.constant 128 : i32
      %mul3A_366 = arith.muli %add3A_363, %mul3A_365 : i32
      %mul3A_367 = arith.constant 128 : i32
      %mul3A_368 = arith.muli %add3A_363, %mul3A_367 : i32
      %lt3A_369 = arith.constant 781 : i32
      %lt3A_370 = arith.cmpi slt, %add3A_364, %lt3A_369 : i32
      %convert_element_type3A_371 = arith.extui %lt3A_370 : i1 to i32
      %cond3A_372 = arith.constant 3 : i32
      %cond3A_373 = arith.constant 0 : i32
      %cond3A_374 = arith.cmpi ne, %convert_element_type3A_371, %cond3A_373 : i32
      scf.if %cond3A_374 {
        %dma_wait3A = arith.constant 0 : i32
        %dma_wait3A_440 = arith.constant 0 : i32
        %dma_wait3A_441 = tpu.memref_slice %arg6[%cond3A_372, %dma_wait3A, %dma_wait3A_440] : memref<5x128x128xf32, #tpu.memory_space<vmem>> -> memref<1x128x128xf32, #tpu.memory_space<vmem>>
        %dma_wait3A_442 = tpu.memref_squeeze %dma_wait3A_441 : memref<1x128x128xf32, #tpu.memory_space<vmem>> -> memref<128x128xf32, #tpu.memory_space<vmem>>
        %dma_wait3A_443 = tpu.memref_slice %arg5[%mul3A_366] : memref<3200xi32, #tpu.memory_space<vmem>> -> memref<128xi32, #tpu.memory_space<vmem>>
        %dma_wait3A_444 = arith.constant 0 : i32
        %dma_wait3A_445 = arith.constant 0 : i32
        %dma_wait3A_446 = tpu.memref_slice %arg7[%dma_wait3A_444, %dma_wait3A_445] : memref<100x128xf32, #tpu.memory_space<vmem_shared>> -> memref<100x128xf32, #tpu.memory_space<vmem_shared>>
        tpu.wait_indirect_dma semaphore(%arg12 : memref<!tpu.dma_semaphore, #tpu.memory_space<semaphore_mem>>) src(%dma_wait3A_446 : memref<100x128xf32, #tpu.memory_space<vmem_shared>>) dst(%dma_wait3A_442 : memref<128x128xf32, #tpu.memory_space<vmem>>)
      } else {
      }
      %eq3A_375 = arith.constant 781 : i32
      %eq3A_376 = arith.cmpi eq, %add3A_364, %eq3A_375 : i32
      %convert_element_type3A_377 = arith.extui %eq3A_376 : i1 to i32
      %cond3A_378 = arith.constant 3 : i32
      %cond3A_379 = arith.constant 0 : i32
      %cond3A_380 = arith.cmpi ne, %convert_element_type3A_377, %cond3A_379 : i32
      scf.if %cond3A_380 {
        %dma_wait3A = arith.constant 0 : i32
        %dma_wait3A_440 = arith.constant 0 : i32
        %dma_wait3A_441 = tpu.memref_slice %arg6[%cond3A_378, %dma_wait3A, %dma_wait3A_440] : memref<5x128x128xf32, #tpu.memory_space<vmem>> -> memref<1x32x128xf32, #tpu.memory_space<vmem>>
        %dma_wait3A_442 = tpu.memref_squeeze %dma_wait3A_441 : memref<1x32x128xf32, #tpu.memory_space<vmem>> -> memref<32x128xf32, #tpu.memory_space<vmem>>
        %dma_wait3A_443 = tpu.memref_slice %arg5[%mul3A_368] : memref<3200xi32, #tpu.memory_space<vmem>> -> memref<32xi32, #tpu.memory_space<vmem>>
        %dma_wait3A_444 = arith.constant 0 : i32
        %dma_wait3A_445 = arith.constant 0 : i32
        %dma_wait3A_446 = tpu.memref_slice %arg7[%dma_wait3A_444, %dma_wait3A_445] : memref<100x128xf32, #tpu.memory_space<vmem_shared>> -> memref<100x128xf32, #tpu.memory_space<vmem_shared>>
        tpu.wait_indirect_dma semaphore(%arg12 : memref<!tpu.dma_semaphore, #tpu.memory_space<semaphore_mem>>) src(%dma_wait3A_446 : memref<100x128xf32, #tpu.memory_space<vmem_shared>>) dst(%dma_wait3A_442 : memref<32x128xf32, #tpu.memory_space<vmem>>)
      } else {
      }
      %mul3A_381 = arith.constant 5 : i32
      %mul3A_382 = arith.muli %scan3A_110, %mul3A_381 : i32
      %add3A_383 = arith.constant 3 : i32
      %add3A_384 = arith.addi %mul3A_382, %add3A_383 : i32
      %add3A_385 = arith.addi %mul3A_2, %add3A_384 : i32
      %mul3A_386 = arith.constant 128 : i32
      %mul3A_387 = arith.muli %add3A_385, %mul3A_386 : i32
      %lt3A_388 = arith.constant 781 : i32
      %lt3A_389 = arith.cmpi slt, %add3A_385, %lt3A_388 : i32
      %convert_element_type3A_390 = arith.extui %lt3A_389 : i1 to i32
      %cond3A_391 = arith.constant 3 : i32
      %cond3A_392 = arith.constant 0 : i32
      %cond3A_393 = arith.cmpi ne, %convert_element_type3A_390, %cond3A_392 : i32
      scf.if %cond3A_393 {
        %dma_start3A = arith.constant 0 : i32
        %dma_start3A_440 = arith.constant 0 : i32
        %dma_start3A_441 = tpu.memref_slice %arg6[%cond3A_391, %dma_start3A, %dma_start3A_440] : memref<5x128x128xf32, #tpu.memory_space<vmem>> -> memref<1x128x128xf32, #tpu.memory_space<vmem>>
        %dma_start3A_442 = tpu.memref_squeeze %dma_start3A_441 : memref<1x128x128xf32, #tpu.memory_space<vmem>> -> memref<128x128xf32, #tpu.memory_space<vmem>>
        %dma_start3A_443 = arith.constant 0 : i32
        %dma_start3A_444 = tpu.memref_slice %arg4[%mul3A_387, %dma_start3A_443] : memref<100000x128xf32, #tpu.memory_space<hbm>> -> memref<128x128xf32, #tpu.memory_space<hbm>>
        %dma_start3A_445 = arith.constant 0 : i32
        %dma_start3A_446 = tpu.memref_slice %arg4[%mul3A_387, %dma_start3A_445] : memref<100000x128xf32, #tpu.memory_space<hbm>> -> memref<128x128xf32, #tpu.memory_space<hbm>>
        %dma_start3A_447 = arith.constant 0 : i32
        %dma_start3A_448 = arith.constant 0 : i32
        %dma_start3A_449 = tpu.memref_slice %arg6[%cond3A_391, %dma_start3A_447, %dma_start3A_448] : memref<5x128x128xf32, #tpu.memory_space<vmem>> -> memref<1x128x128xf32, #tpu.memory_space<vmem>>
        %dma_start3A_450 = tpu.memref_squeeze %dma_start3A_449 : memref<1x128x128xf32, #tpu.memory_space<vmem>> -> memref<128x128xf32, #tpu.memory_space<vmem>>
        tpu.enqueue_dma source(%dma_start3A_450 : memref<128x128xf32, #tpu.memory_space<vmem>>) target(%dma_start3A_446 : memref<128x128xf32, #tpu.memory_space<hbm>>) target_semaphore(%arg17 : memref<!tpu.dma_semaphore, #tpu.memory_space<semaphore_mem>>)
      } else {
      }
      %eq3A_394 = arith.constant 781 : i32
      %eq3A_395 = arith.cmpi eq, %add3A_385, %eq3A_394 : i32
      %convert_element_type3A_396 = arith.extui %eq3A_395 : i1 to i32
      %cond3A_397 = arith.constant 3 : i32
      %cond3A_398 = arith.constant 0 : i32
      %cond3A_399 = arith.cmpi ne, %convert_element_type3A_396, %cond3A_398 : i32
      scf.if %cond3A_399 {
        %dma_start3A = arith.constant 0 : i32
        %dma_start3A_440 = arith.constant 0 : i32
        %dma_start3A_441 = tpu.memref_slice %arg6[%cond3A_397, %dma_start3A, %dma_start3A_440] : memref<5x128x128xf32, #tpu.memory_space<vmem>> -> memref<1x32x128xf32, #tpu.memory_space<vmem>>
        %dma_start3A_442 = tpu.memref_squeeze %dma_start3A_441 : memref<1x32x128xf32, #tpu.memory_space<vmem>> -> memref<32x128xf32, #tpu.memory_space<vmem>>
        %dma_start3A_443 = arith.constant 99968 : i32
        %dma_start3A_444 = arith.constant 0 : i32
        %dma_start3A_445 = tpu.memref_slice %arg4[%dma_start3A_443, %dma_start3A_444] : memref<100000x128xf32, #tpu.memory_space<hbm>> -> memref<32x128xf32, #tpu.memory_space<hbm>>
        %dma_start3A_446 = arith.constant 99968 : i32
        %dma_start3A_447 = arith.constant 0 : i32
        %dma_start3A_448 = tpu.memref_slice %arg4[%dma_start3A_446, %dma_start3A_447] : memref<100000x128xf32, #tpu.memory_space<hbm>> -> memref<32x128xf32, #tpu.memory_space<hbm>>
        %dma_start3A_449 = arith.constant 0 : i32
        %dma_start3A_450 = arith.constant 0 : i32
        %dma_start3A_451 = tpu.memref_slice %arg6[%cond3A_397, %dma_start3A_449, %dma_start3A_450] : memref<5x128x128xf32, #tpu.memory_space<vmem>> -> memref<1x32x128xf32, #tpu.memory_space<vmem>>
        %dma_start3A_452 = tpu.memref_squeeze %dma_start3A_451 : memref<1x32x128xf32, #tpu.memory_space<vmem>> -> memref<32x128xf32, #tpu.memory_space<vmem>>
        tpu.enqueue_dma source(%dma_start3A_452 : memref<32x128xf32, #tpu.memory_space<vmem>>) target(%dma_start3A_448 : memref<32x128xf32, #tpu.memory_space<hbm>>) target_semaphore(%arg17 : memref<!tpu.dma_semaphore, #tpu.memory_space<semaphore_mem>>)
      } else {
      }
      %mul3A_400 = arith.constant 5 : i32
      %mul3A_401 = arith.muli %scan3A_110, %mul3A_400 : i32
      %add3A_402 = arith.constant 4 : i32
      %add3A_403 = arith.addi %mul3A_401, %add3A_402 : i32
      %add3A_404 = arith.addi %mul3A_2, %add3A_403 : i32
      %mul3A_405 = arith.constant 128 : i32
      %mul3A_406 = arith.muli %add3A_403, %mul3A_405 : i32
      %mul3A_407 = arith.constant 128 : i32
      %mul3A_408 = arith.muli %add3A_403, %mul3A_407 : i32
      %lt3A_409 = arith.constant 781 : i32
      %lt3A_410 = arith.cmpi slt, %add3A_404, %lt3A_409 : i32
      %convert_element_type3A_411 = arith.extui %lt3A_410 : i1 to i32
      %cond3A_412 = arith.constant 4 : i32
      %cond3A_413 = arith.constant 0 : i32
      %cond3A_414 = arith.cmpi ne, %convert_element_type3A_411, %cond3A_413 : i32
      scf.if %cond3A_414 {
        %dma_wait3A = arith.constant 0 : i32
        %dma_wait3A_440 = arith.constant 0 : i32
        %dma_wait3A_441 = tpu.memref_slice %arg6[%cond3A_412, %dma_wait3A, %dma_wait3A_440] : memref<5x128x128xf32, #tpu.memory_space<vmem>> -> memref<1x128x128xf32, #tpu.memory_space<vmem>>
        %dma_wait3A_442 = tpu.memref_squeeze %dma_wait3A_441 : memref<1x128x128xf32, #tpu.memory_space<vmem>> -> memref<128x128xf32, #tpu.memory_space<vmem>>
        %dma_wait3A_443 = tpu.memref_slice %arg5[%mul3A_406] : memref<3200xi32, #tpu.memory_space<vmem>> -> memref<128xi32, #tpu.memory_space<vmem>>
        %dma_wait3A_444 = arith.constant 0 : i32
        %dma_wait3A_445 = arith.constant 0 : i32
        %dma_wait3A_446 = tpu.memref_slice %arg7[%dma_wait3A_444, %dma_wait3A_445] : memref<100x128xf32, #tpu.memory_space<vmem_shared>> -> memref<100x128xf32, #tpu.memory_space<vmem_shared>>
        tpu.wait_indirect_dma semaphore(%arg13 : memref<!tpu.dma_semaphore, #tpu.memory_space<semaphore_mem>>) src(%dma_wait3A_446 : memref<100x128xf32, #tpu.memory_space<vmem_shared>>) dst(%dma_wait3A_442 : memref<128x128xf32, #tpu.memory_space<vmem>>)
      } else {
      }
      %eq3A_415 = arith.constant 781 : i32
      %eq3A_416 = arith.cmpi eq, %add3A_404, %eq3A_415 : i32
      %convert_element_type3A_417 = arith.extui %eq3A_416 : i1 to i32
      %cond3A_418 = arith.constant 4 : i32
      %cond3A_419 = arith.constant 0 : i32
      %cond3A_420 = arith.cmpi ne, %convert_element_type3A_417, %cond3A_419 : i32
      scf.if %cond3A_420 {
        %dma_wait3A = arith.constant 0 : i32
        %dma_wait3A_440 = arith.constant 0 : i32
        %dma_wait3A_441 = tpu.memref_slice %arg6[%cond3A_418, %dma_wait3A, %dma_wait3A_440] : memref<5x128x128xf32, #tpu.memory_space<vmem>> -> memref<1x32x128xf32, #tpu.memory_space<vmem>>
        %dma_wait3A_442 = tpu.memref_squeeze %dma_wait3A_441 : memref<1x32x128xf32, #tpu.memory_space<vmem>> -> memref<32x128xf32, #tpu.memory_space<vmem>>
        %dma_wait3A_443 = tpu.memref_slice %arg5[%mul3A_408] : memref<3200xi32, #tpu.memory_space<vmem>> -> memref<32xi32, #tpu.memory_space<vmem>>
        %dma_wait3A_444 = arith.constant 0 : i32
        %dma_wait3A_445 = arith.constant 0 : i32
        %dma_wait3A_446 = tpu.memref_slice %arg7[%dma_wait3A_444, %dma_wait3A_445] : memref<100x128xf32, #tpu.memory_space<vmem_shared>> -> memref<100x128xf32, #tpu.memory_space<vmem_shared>>
        tpu.wait_indirect_dma semaphore(%arg13 : memref<!tpu.dma_semaphore, #tpu.memory_space<semaphore_mem>>) src(%dma_wait3A_446 : memref<100x128xf32, #tpu.memory_space<vmem_shared>>) dst(%dma_wait3A_442 : memref<32x128xf32, #tpu.memory_space<vmem>>)
      } else {
      }
      %mul3A_421 = arith.constant 5 : i32
      %mul3A_422 = arith.muli %scan3A_110, %mul3A_421 : i32
      %add3A_423 = arith.constant 4 : i32
      %add3A_424 = arith.addi %mul3A_422, %add3A_423 : i32
      %add3A_425 = arith.addi %mul3A_2, %add3A_424 : i32
      %mul3A_426 = arith.constant 128 : i32
      %mul3A_427 = arith.muli %add3A_425, %mul3A_426 : i32
      %lt3A_428 = arith.constant 781 : i32
      %lt3A_429 = arith.cmpi slt, %add3A_425, %lt3A_428 : i32
      %convert_element_type3A_430 = arith.extui %lt3A_429 : i1 to i32
      %cond3A_431 = arith.constant 4 : i32
      %cond3A_432 = arith.constant 0 : i32
      %cond3A_433 = arith.cmpi ne, %convert_element_type3A_430, %cond3A_432 : i32
      scf.if %cond3A_433 {
        %dma_start3A = arith.constant 0 : i32
        %dma_start3A_440 = arith.constant 0 : i32
        %dma_start3A_441 = tpu.memref_slice %arg6[%cond3A_431, %dma_start3A, %dma_start3A_440] : memref<5x128x128xf32, #tpu.memory_space<vmem>> -> memref<1x128x128xf32, #tpu.memory_space<vmem>>
        %dma_start3A_442 = tpu.memref_squeeze %dma_start3A_441 : memref<1x128x128xf32, #tpu.memory_space<vmem>> -> memref<128x128xf32, #tpu.memory_space<vmem>>
        %dma_start3A_443 = arith.constant 0 : i32
        %dma_start3A_444 = tpu.memref_slice %arg4[%mul3A_427, %dma_start3A_443] : memref<100000x128xf32, #tpu.memory_space<hbm>> -> memref<128x128xf32, #tpu.memory_space<hbm>>
        %dma_start3A_445 = arith.constant 0 : i32
        %dma_start3A_446 = tpu.memref_slice %arg4[%mul3A_427, %dma_start3A_445] : memref<100000x128xf32, #tpu.memory_space<hbm>> -> memref<128x128xf32, #tpu.memory_space<hbm>>
        %dma_start3A_447 = arith.constant 0 : i32
        %dma_start3A_448 = arith.constant 0 : i32
        %dma_start3A_449 = tpu.memref_slice %arg6[%cond3A_431, %dma_start3A_447, %dma_start3A_448] : memref<5x128x128xf32, #tpu.memory_space<vmem>> -> memref<1x128x128xf32, #tpu.memory_space<vmem>>
        %dma_start3A_450 = tpu.memref_squeeze %dma_start3A_449 : memref<1x128x128xf32, #tpu.memory_space<vmem>> -> memref<128x128xf32, #tpu.memory_space<vmem>>
        tpu.enqueue_dma source(%dma_start3A_450 : memref<128x128xf32, #tpu.memory_space<vmem>>) target(%dma_start3A_446 : memref<128x128xf32, #tpu.memory_space<hbm>>) target_semaphore(%arg18 : memref<!tpu.dma_semaphore, #tpu.memory_space<semaphore_mem>>)
      } else {
      }
      %eq3A_434 = arith.constant 781 : i32
      %eq3A_435 = arith.cmpi eq, %add3A_425, %eq3A_434 : i32
      %convert_element_type3A_436 = arith.extui %eq3A_435 : i1 to i32
      %cond3A_437 = arith.constant 4 : i32
      %cond3A_438 = arith.constant 0 : i32
      %cond3A_439 = arith.cmpi ne, %convert_element_type3A_436, %cond3A_438 : i32
      scf.if %cond3A_439 {
        %dma_start3A = arith.constant 0 : i32
        %dma_start3A_440 = arith.constant 0 : i32
        %dma_start3A_441 = tpu.memref_slice %arg6[%cond3A_437, %dma_start3A, %dma_start3A_440] : memref<5x128x128xf32, #tpu.memory_space<vmem>> -> memref<1x32x128xf32, #tpu.memory_space<vmem>>
        %dma_start3A_442 = tpu.memref_squeeze %dma_start3A_441 : memref<1x32x128xf32, #tpu.memory_space<vmem>> -> memref<32x128xf32, #tpu.memory_space<vmem>>
        %dma_start3A_443 = arith.constant 99968 : i32
        %dma_start3A_444 = arith.constant 0 : i32
        %dma_start3A_445 = tpu.memref_slice %arg4[%dma_start3A_443, %dma_start3A_444] : memref<100000x128xf32, #tpu.memory_space<hbm>> -> memref<32x128xf32, #tpu.memory_space<hbm>>
        %dma_start3A_446 = arith.constant 99968 : i32
        %dma_start3A_447 = arith.constant 0 : i32
        %dma_start3A_448 = tpu.memref_slice %arg4[%dma_start3A_446, %dma_start3A_447] : memref<100000x128xf32, #tpu.memory_space<hbm>> -> memref<32x128xf32, #tpu.memory_space<hbm>>
        %dma_start3A_449 = arith.constant 0 : i32
        %dma_start3A_450 = arith.constant 0 : i32
        %dma_start3A_451 = tpu.memref_slice %arg6[%cond3A_437, %dma_start3A_449, %dma_start3A_450] : memref<5x128x128xf32, #tpu.memory_space<vmem>> -> memref<1x32x128xf32, #tpu.memory_space<vmem>>
        %dma_start3A_452 = tpu.memref_squeeze %dma_start3A_451 : memref<1x32x128xf32, #tpu.memory_space<vmem>> -> memref<32x128xf32, #tpu.memory_space<vmem>>
        tpu.enqueue_dma source(%dma_start3A_452 : memref<32x128xf32, #tpu.memory_space<vmem>>) target(%dma_start3A_448 : memref<32x128xf32, #tpu.memory_space<hbm>>) target_semaphore(%arg18 : memref<!tpu.dma_semaphore, #tpu.memory_space<semaphore_mem>>)
      } else {
      }
    }
    %scan3A_30 = arith.constant 5 : i32
    %add3A_31 = arith.constant 20 : i32
    %add3A_32 = arith.addi %mul3A_2, %add3A_31 : i32
    %mul3A_33 = arith.constant 128 : i32
    %mul3A_34 = arith.muli %add3A_32, %mul3A_33 : i32
    %lt3A = arith.constant 781 : i32
    %lt3A_35 = arith.cmpi slt, %add3A_32, %lt3A : i32
    %convert_element_type3A_36 = arith.extui %lt3A_35 : i1 to i32
    %cond3A_37 = arith.constant 0 : i32
    %cond3A_38 = arith.constant 0 : i32
    %cond3A_39 = arith.cmpi ne, %convert_element_type3A_36, %cond3A_38 : i32
    scf.if %cond3A_39 {
      %dma_wait3A = arith.constant 0 : i32
      %dma_wait3A_110 = arith.constant 0 : i32
      %dma_wait3A_111 = tpu.memref_slice %arg6[%cond3A_37, %dma_wait3A, %dma_wait3A_110] : memref<5x128x128xf32, #tpu.memory_space<vmem>> -> memref<1x128x128xf32, #tpu.memory_space<vmem>>
      %dma_wait3A_112 = tpu.memref_squeeze %dma_wait3A_111 : memref<1x128x128xf32, #tpu.memory_space<vmem>> -> memref<128x128xf32, #tpu.memory_space<vmem>>
      %dma_wait3A_113 = arith.constant 0 : i32
      %dma_wait3A_114 = tpu.memref_slice %arg4[%mul3A_34, %dma_wait3A_113] : memref<100000x128xf32, #tpu.memory_space<hbm>> -> memref<128x128xf32, #tpu.memory_space<hbm>>
      %dma_wait3A_115 = arith.constant 0 : i32
      %dma_wait3A_116 = tpu.memref_slice %arg4[%mul3A_34, %dma_wait3A_115] : memref<100000x128xf32, #tpu.memory_space<hbm>> -> memref<128x128xf32, #tpu.memory_space<hbm>>
      %dma_wait3A_117 = arith.constant 0 : i32
      %dma_wait3A_118 = arith.constant 0 : i32
      %dma_wait3A_119 = tpu.memref_slice %arg6[%cond3A_37, %dma_wait3A_117, %dma_wait3A_118] : memref<5x128x128xf32, #tpu.memory_space<vmem>> -> memref<1x128x128xf32, #tpu.memory_space<vmem>>
      %dma_wait3A_120 = tpu.memref_squeeze %dma_wait3A_119 : memref<1x128x128xf32, #tpu.memory_space<vmem>> -> memref<128x128xf32, #tpu.memory_space<vmem>>
      tpu.wait_dma2 semaphore(%arg14 : memref<!tpu.dma_semaphore, #tpu.memory_space<semaphore_mem>>) src(%dma_wait3A_120 : memref<128x128xf32, #tpu.memory_space<vmem>>) dst(%dma_wait3A_116 : memref<128x128xf32, #tpu.memory_space<hbm>>)
    } else {
    }
    %eq3A_40 = arith.constant 781 : i32
    %eq3A_41 = arith.cmpi eq, %add3A_32, %eq3A_40 : i32
    %convert_element_type3A_42 = arith.extui %eq3A_41 : i1 to i32
    %cond3A_43 = arith.constant 0 : i32
    %cond3A_44 = arith.constant 0 : i32
    %cond3A_45 = arith.cmpi ne, %convert_element_type3A_42, %cond3A_44 : i32
    scf.if %cond3A_45 {
      %dma_wait3A = arith.constant 0 : i32
      %dma_wait3A_110 = arith.constant 0 : i32
      %dma_wait3A_111 = tpu.memref_slice %arg6[%cond3A_43, %dma_wait3A, %dma_wait3A_110] : memref<5x128x128xf32, #tpu.memory_space<vmem>> -> memref<1x32x128xf32, #tpu.memory_space<vmem>>
      %dma_wait3A_112 = tpu.memref_squeeze %dma_wait3A_111 : memref<1x32x128xf32, #tpu.memory_space<vmem>> -> memref<32x128xf32, #tpu.memory_space<vmem>>
      %dma_wait3A_113 = arith.constant 99968 : i32
      %dma_wait3A_114 = arith.constant 0 : i32
      %dma_wait3A_115 = tpu.memref_slice %arg4[%dma_wait3A_113, %dma_wait3A_114] : memref<100000x128xf32, #tpu.memory_space<hbm>> -> memref<32x128xf32, #tpu.memory_space<hbm>>
      %dma_wait3A_116 = arith.constant 99968 : i32
      %dma_wait3A_117 = arith.constant 0 : i32
      %dma_wait3A_118 = tpu.memref_slice %arg4[%dma_wait3A_116, %dma_wait3A_117] : memref<100000x128xf32, #tpu.memory_space<hbm>> -> memref<32x128xf32, #tpu.memory_space<hbm>>
      %dma_wait3A_119 = arith.constant 0 : i32
      %dma_wait3A_120 = arith.constant 0 : i32
      %dma_wait3A_121 = tpu.memref_slice %arg6[%cond3A_43, %dma_wait3A_119, %dma_wait3A_120] : memref<5x128x128xf32, #tpu.memory_space<vmem>> -> memref<1x32x128xf32, #tpu.memory_space<vmem>>
      %dma_wait3A_122 = tpu.memref_squeeze %dma_wait3A_121 : memref<1x32x128xf32, #tpu.memory_space<vmem>> -> memref<32x128xf32, #tpu.memory_space<vmem>>
      tpu.wait_dma2 semaphore(%arg14 : memref<!tpu.dma_semaphore, #tpu.memory_space<semaphore_mem>>) src(%dma_wait3A_122 : memref<32x128xf32, #tpu.memory_space<vmem>>) dst(%dma_wait3A_118 : memref<32x128xf32, #tpu.memory_space<hbm>>)
    } else {
    }
    %add3A_46 = arith.constant 21 : i32
    %add3A_47 = arith.addi %mul3A_2, %add3A_46 : i32
    %mul3A_48 = arith.constant 128 : i32
    %mul3A_49 = arith.muli %add3A_47, %mul3A_48 : i32
    %lt3A_50 = arith.constant 781 : i32
    %lt3A_51 = arith.cmpi slt, %add3A_47, %lt3A_50 : i32
    %convert_element_type3A_52 = arith.extui %lt3A_51 : i1 to i32
    %cond3A_53 = arith.constant 1 : i32
    %cond3A_54 = arith.constant 0 : i32
    %cond3A_55 = arith.cmpi ne, %convert_element_type3A_52, %cond3A_54 : i32
    scf.if %cond3A_55 {
      %dma_wait3A = arith.constant 0 : i32
      %dma_wait3A_110 = arith.constant 0 : i32
      %dma_wait3A_111 = tpu.memref_slice %arg6[%cond3A_53, %dma_wait3A, %dma_wait3A_110] : memref<5x128x128xf32, #tpu.memory_space<vmem>> -> memref<1x128x128xf32, #tpu.memory_space<vmem>>
      %dma_wait3A_112 = tpu.memref_squeeze %dma_wait3A_111 : memref<1x128x128xf32, #tpu.memory_space<vmem>> -> memref<128x128xf32, #tpu.memory_space<vmem>>
      %dma_wait3A_113 = arith.constant 0 : i32
      %dma_wait3A_114 = tpu.memref_slice %arg4[%mul3A_49, %dma_wait3A_113] : memref<100000x128xf32, #tpu.memory_space<hbm>> -> memref<128x128xf32, #tpu.memory_space<hbm>>
      %dma_wait3A_115 = arith.constant 0 : i32
      %dma_wait3A_116 = tpu.memref_slice %arg4[%mul3A_49, %dma_wait3A_115] : memref<100000x128xf32, #tpu.memory_space<hbm>> -> memref<128x128xf32, #tpu.memory_space<hbm>>
      %dma_wait3A_117 = arith.constant 0 : i32
      %dma_wait3A_118 = arith.constant 0 : i32
      %dma_wait3A_119 = tpu.memref_slice %arg6[%cond3A_53, %dma_wait3A_117, %dma_wait3A_118] : memref<5x128x128xf32, #tpu.memory_space<vmem>> -> memref<1x128x128xf32, #tpu.memory_space<vmem>>
      %dma_wait3A_120 = tpu.memref_squeeze %dma_wait3A_119 : memref<1x128x128xf32, #tpu.memory_space<vmem>> -> memref<128x128xf32, #tpu.memory_space<vmem>>
      tpu.wait_dma2 semaphore(%arg15 : memref<!tpu.dma_semaphore, #tpu.memory_space<semaphore_mem>>) src(%dma_wait3A_120 : memref<128x128xf32, #tpu.memory_space<vmem>>) dst(%dma_wait3A_116 : memref<128x128xf32, #tpu.memory_space<hbm>>)
    } else {
    }
    %eq3A_56 = arith.constant 781 : i32
    %eq3A_57 = arith.cmpi eq, %add3A_47, %eq3A_56 : i32
    %convert_element_type3A_58 = arith.extui %eq3A_57 : i1 to i32
    %cond3A_59 = arith.constant 1 : i32
    %cond3A_60 = arith.constant 0 : i32
    %cond3A_61 = arith.cmpi ne, %convert_element_type3A_58, %cond3A_60 : i32
    scf.if %cond3A_61 {
      %dma_wait3A = arith.constant 0 : i32
      %dma_wait3A_110 = arith.constant 0 : i32
      %dma_wait3A_111 = tpu.memref_slice %arg6[%cond3A_59, %dma_wait3A, %dma_wait3A_110] : memref<5x128x128xf32, #tpu.memory_space<vmem>> -> memref<1x32x128xf32, #tpu.memory_space<vmem>>
      %dma_wait3A_112 = tpu.memref_squeeze %dma_wait3A_111 : memref<1x32x128xf32, #tpu.memory_space<vmem>> -> memref<32x128xf32, #tpu.memory_space<vmem>>
      %dma_wait3A_113 = arith.constant 99968 : i32
      %dma_wait3A_114 = arith.constant 0 : i32
      %dma_wait3A_115 = tpu.memref_slice %arg4[%dma_wait3A_113, %dma_wait3A_114] : memref<100000x128xf32, #tpu.memory_space<hbm>> -> memref<32x128xf32, #tpu.memory_space<hbm>>
      %dma_wait3A_116 = arith.constant 99968 : i32
      %dma_wait3A_117 = arith.constant 0 : i32
      %dma_wait3A_118 = tpu.memref_slice %arg4[%dma_wait3A_116, %dma_wait3A_117] : memref<100000x128xf32, #tpu.memory_space<hbm>> -> memref<32x128xf32, #tpu.memory_space<hbm>>
      %dma_wait3A_119 = arith.constant 0 : i32
      %dma_wait3A_120 = arith.constant 0 : i32
      %dma_wait3A_121 = tpu.memref_slice %arg6[%cond3A_59, %dma_wait3A_119, %dma_wait3A_120] : memref<5x128x128xf32, #tpu.memory_space<vmem>> -> memref<1x32x128xf32, #tpu.memory_space<vmem>>
      %dma_wait3A_122 = tpu.memref_squeeze %dma_wait3A_121 : memref<1x32x128xf32, #tpu.memory_space<vmem>> -> memref<32x128xf32, #tpu.memory_space<vmem>>
      tpu.wait_dma2 semaphore(%arg15 : memref<!tpu.dma_semaphore, #tpu.memory_space<semaphore_mem>>) src(%dma_wait3A_122 : memref<32x128xf32, #tpu.memory_space<vmem>>) dst(%dma_wait3A_118 : memref<32x128xf32, #tpu.memory_space<hbm>>)
    } else {
    }
    %add3A_62 = arith.constant 22 : i32
    %add3A_63 = arith.addi %mul3A_2, %add3A_62 : i32
    %mul3A_64 = arith.constant 128 : i32
    %mul3A_65 = arith.muli %add3A_63, %mul3A_64 : i32
    %lt3A_66 = arith.constant 781 : i32
    %lt3A_67 = arith.cmpi slt, %add3A_63, %lt3A_66 : i32
    %convert_element_type3A_68 = arith.extui %lt3A_67 : i1 to i32
    %cond3A_69 = arith.constant 2 : i32
    %cond3A_70 = arith.constant 0 : i32
    %cond3A_71 = arith.cmpi ne, %convert_element_type3A_68, %cond3A_70 : i32
    scf.if %cond3A_71 {
      %dma_wait3A = arith.constant 0 : i32
      %dma_wait3A_110 = arith.constant 0 : i32
      %dma_wait3A_111 = tpu.memref_slice %arg6[%cond3A_69, %dma_wait3A, %dma_wait3A_110] : memref<5x128x128xf32, #tpu.memory_space<vmem>> -> memref<1x128x128xf32, #tpu.memory_space<vmem>>
      %dma_wait3A_112 = tpu.memref_squeeze %dma_wait3A_111 : memref<1x128x128xf32, #tpu.memory_space<vmem>> -> memref<128x128xf32, #tpu.memory_space<vmem>>
      %dma_wait3A_113 = arith.constant 0 : i32
      %dma_wait3A_114 = tpu.memref_slice %arg4[%mul3A_65, %dma_wait3A_113] : memref<100000x128xf32, #tpu.memory_space<hbm>> -> memref<128x128xf32, #tpu.memory_space<hbm>>
      %dma_wait3A_115 = arith.constant 0 : i32
      %dma_wait3A_116 = tpu.memref_slice %arg4[%mul3A_65, %dma_wait3A_115] : memref<100000x128xf32, #tpu.memory_space<hbm>> -> memref<128x128xf32, #tpu.memory_space<hbm>>
      %dma_wait3A_117 = arith.constant 0 : i32
      %dma_wait3A_118 = arith.constant 0 : i32
      %dma_wait3A_119 = tpu.memref_slice %arg6[%cond3A_69, %dma_wait3A_117, %dma_wait3A_118] : memref<5x128x128xf32, #tpu.memory_space<vmem>> -> memref<1x128x128xf32, #tpu.memory_space<vmem>>
      %dma_wait3A_120 = tpu.memref_squeeze %dma_wait3A_119 : memref<1x128x128xf32, #tpu.memory_space<vmem>> -> memref<128x128xf32, #tpu.memory_space<vmem>>
      tpu.wait_dma2 semaphore(%arg16 : memref<!tpu.dma_semaphore, #tpu.memory_space<semaphore_mem>>) src(%dma_wait3A_120 : memref<128x128xf32, #tpu.memory_space<vmem>>) dst(%dma_wait3A_116 : memref<128x128xf32, #tpu.memory_space<hbm>>)
    } else {
    }
    %eq3A_72 = arith.constant 781 : i32
    %eq3A_73 = arith.cmpi eq, %add3A_63, %eq3A_72 : i32
    %convert_element_type3A_74 = arith.extui %eq3A_73 : i1 to i32
    %cond3A_75 = arith.constant 2 : i32
    %cond3A_76 = arith.constant 0 : i32
    %cond3A_77 = arith.cmpi ne, %convert_element_type3A_74, %cond3A_76 : i32
    scf.if %cond3A_77 {
      %dma_wait3A = arith.constant 0 : i32
      %dma_wait3A_110 = arith.constant 0 : i32
      %dma_wait3A_111 = tpu.memref_slice %arg6[%cond3A_75, %dma_wait3A, %dma_wait3A_110] : memref<5x128x128xf32, #tpu.memory_space<vmem>> -> memref<1x32x128xf32, #tpu.memory_space<vmem>>
      %dma_wait3A_112 = tpu.memref_squeeze %dma_wait3A_111 : memref<1x32x128xf32, #tpu.memory_space<vmem>> -> memref<32x128xf32, #tpu.memory_space<vmem>>
      %dma_wait3A_113 = arith.constant 99968 : i32
      %dma_wait3A_114 = arith.constant 0 : i32
      %dma_wait3A_115 = tpu.memref_slice %arg4[%dma_wait3A_113, %dma_wait3A_114] : memref<100000x128xf32, #tpu.memory_space<hbm>> -> memref<32x128xf32, #tpu.memory_space<hbm>>
      %dma_wait3A_116 = arith.constant 99968 : i32
      %dma_wait3A_117 = arith.constant 0 : i32
      %dma_wait3A_118 = tpu.memref_slice %arg4[%dma_wait3A_116, %dma_wait3A_117] : memref<100000x128xf32, #tpu.memory_space<hbm>> -> memref<32x128xf32, #tpu.memory_space<hbm>>
      %dma_wait3A_119 = arith.constant 0 : i32
      %dma_wait3A_120 = arith.constant 0 : i32
      %dma_wait3A_121 = tpu.memref_slice %arg6[%cond3A_75, %dma_wait3A_119, %dma_wait3A_120] : memref<5x128x128xf32, #tpu.memory_space<vmem>> -> memref<1x32x128xf32, #tpu.memory_space<vmem>>
      %dma_wait3A_122 = tpu.memref_squeeze %dma_wait3A_121 : memref<1x32x128xf32, #tpu.memory_space<vmem>> -> memref<32x128xf32, #tpu.memory_space<vmem>>
      tpu.wait_dma2 semaphore(%arg16 : memref<!tpu.dma_semaphore, #tpu.memory_space<semaphore_mem>>) src(%dma_wait3A_122 : memref<32x128xf32, #tpu.memory_space<vmem>>) dst(%dma_wait3A_118 : memref<32x128xf32, #tpu.memory_space<hbm>>)
    } else {
    }
    %add3A_78 = arith.constant 23 : i32
    %add3A_79 = arith.addi %mul3A_2, %add3A_78 : i32
    %mul3A_80 = arith.constant 128 : i32
    %mul3A_81 = arith.muli %add3A_79, %mul3A_80 : i32
    %lt3A_82 = arith.constant 781 : i32
    %lt3A_83 = arith.cmpi slt, %add3A_79, %lt3A_82 : i32
    %convert_element_type3A_84 = arith.extui %lt3A_83 : i1 to i32
    %cond3A_85 = arith.constant 3 : i32
    %cond3A_86 = arith.constant 0 : i32
    %cond3A_87 = arith.cmpi ne, %convert_element_type3A_84, %cond3A_86 : i32
    scf.if %cond3A_87 {
      %dma_wait3A = arith.constant 0 : i32
      %dma_wait3A_110 = arith.constant 0 : i32
      %dma_wait3A_111 = tpu.memref_slice %arg6[%cond3A_85, %dma_wait3A, %dma_wait3A_110] : memref<5x128x128xf32, #tpu.memory_space<vmem>> -> memref<1x128x128xf32, #tpu.memory_space<vmem>>
      %dma_wait3A_112 = tpu.memref_squeeze %dma_wait3A_111 : memref<1x128x128xf32, #tpu.memory_space<vmem>> -> memref<128x128xf32, #tpu.memory_space<vmem>>
      %dma_wait3A_113 = arith.constant 0 : i32
      %dma_wait3A_114 = tpu.memref_slice %arg4[%mul3A_81, %dma_wait3A_113] : memref<100000x128xf32, #tpu.memory_space<hbm>> -> memref<128x128xf32, #tpu.memory_space<hbm>>
      %dma_wait3A_115 = arith.constant 0 : i32
      %dma_wait3A_116 = tpu.memref_slice %arg4[%mul3A_81, %dma_wait3A_115] : memref<100000x128xf32, #tpu.memory_space<hbm>> -> memref<128x128xf32, #tpu.memory_space<hbm>>
      %dma_wait3A_117 = arith.constant 0 : i32
      %dma_wait3A_118 = arith.constant 0 : i32
      %dma_wait3A_119 = tpu.memref_slice %arg6[%cond3A_85, %dma_wait3A_117, %dma_wait3A_118] : memref<5x128x128xf32, #tpu.memory_space<vmem>> -> memref<1x128x128xf32, #tpu.memory_space<vmem>>
      %dma_wait3A_120 = tpu.memref_squeeze %dma_wait3A_119 : memref<1x128x128xf32, #tpu.memory_space<vmem>> -> memref<128x128xf32, #tpu.memory_space<vmem>>
      tpu.wait_dma2 semaphore(%arg17 : memref<!tpu.dma_semaphore, #tpu.memory_space<semaphore_mem>>) src(%dma_wait3A_120 : memref<128x128xf32, #tpu.memory_space<vmem>>) dst(%dma_wait3A_116 : memref<128x128xf32, #tpu.memory_space<hbm>>)
    } else {
    }
    %eq3A_88 = arith.constant 781 : i32
    %eq3A_89 = arith.cmpi eq, %add3A_79, %eq3A_88 : i32
    %convert_element_type3A_90 = arith.extui %eq3A_89 : i1 to i32
    %cond3A_91 = arith.constant 3 : i32
    %cond3A_92 = arith.constant 0 : i32
    %cond3A_93 = arith.cmpi ne, %convert_element_type3A_90, %cond3A_92 : i32
    scf.if %cond3A_93 {
      %dma_wait3A = arith.constant 0 : i32
      %dma_wait3A_110 = arith.constant 0 : i32
      %dma_wait3A_111 = tpu.memref_slice %arg6[%cond3A_91, %dma_wait3A, %dma_wait3A_110] : memref<5x128x128xf32, #tpu.memory_space<vmem>> -> memref<1x32x128xf32, #tpu.memory_space<vmem>>
      %dma_wait3A_112 = tpu.memref_squeeze %dma_wait3A_111 : memref<1x32x128xf32, #tpu.memory_space<vmem>> -> memref<32x128xf32, #tpu.memory_space<vmem>>
      %dma_wait3A_113 = arith.constant 99968 : i32
      %dma_wait3A_114 = arith.constant 0 : i32
      %dma_wait3A_115 = tpu.memref_slice %arg4[%dma_wait3A_113, %dma_wait3A_114] : memref<100000x128xf32, #tpu.memory_space<hbm>> -> memref<32x128xf32, #tpu.memory_space<hbm>>
      %dma_wait3A_116 = arith.constant 99968 : i32
      %dma_wait3A_117 = arith.constant 0 : i32
      %dma_wait3A_118 = tpu.memref_slice %arg4[%dma_wait3A_116, %dma_wait3A_117] : memref<100000x128xf32, #tpu.memory_space<hbm>> -> memref<32x128xf32, #tpu.memory_space<hbm>>
      %dma_wait3A_119 = arith.constant 0 : i32
      %dma_wait3A_120 = arith.constant 0 : i32
      %dma_wait3A_121 = tpu.memref_slice %arg6[%cond3A_91, %dma_wait3A_119, %dma_wait3A_120] : memref<5x128x128xf32, #tpu.memory_space<vmem>> -> memref<1x32x128xf32, #tpu.memory_space<vmem>>
      %dma_wait3A_122 = tpu.memref_squeeze %dma_wait3A_121 : memref<1x32x128xf32, #tpu.memory_space<vmem>> -> memref<32x128xf32, #tpu.memory_space<vmem>>
      tpu.wait_dma2 semaphore(%arg17 : memref<!tpu.dma_semaphore, #tpu.memory_space<semaphore_mem>>) src(%dma_wait3A_122 : memref<32x128xf32, #tpu.memory_space<vmem>>) dst(%dma_wait3A_118 : memref<32x128xf32, #tpu.memory_space<hbm>>)
    } else {
    }
    %add3A_94 = arith.constant 24 : i32
    %add3A_95 = arith.addi %mul3A_2, %add3A_94 : i32
    %mul3A_96 = arith.constant 128 : i32
    %mul3A_97 = arith.muli %add3A_95, %mul3A_96 : i32
    %lt3A_98 = arith.constant 781 : i32
    %lt3A_99 = arith.cmpi slt, %add3A_95, %lt3A_98 : i32
    %convert_element_type3A_100 = arith.extui %lt3A_99 : i1 to i32
    %cond3A_101 = arith.constant 4 : i32
    %cond3A_102 = arith.constant 0 : i32
    %cond3A_103 = arith.cmpi ne, %convert_element_type3A_100, %cond3A_102 : i32
    scf.if %cond3A_103 {
      %dma_wait3A = arith.constant 0 : i32
      %dma_wait3A_110 = arith.constant 0 : i32
      %dma_wait3A_111 = tpu.memref_slice %arg6[%cond3A_101, %dma_wait3A, %dma_wait3A_110] : memref<5x128x128xf32, #tpu.memory_space<vmem>> -> memref<1x128x128xf32, #tpu.memory_space<vmem>>
      %dma_wait3A_112 = tpu.memref_squeeze %dma_wait3A_111 : memref<1x128x128xf32, #tpu.memory_space<vmem>> -> memref<128x128xf32, #tpu.memory_space<vmem>>
      %dma_wait3A_113 = arith.constant 0 : i32
      %dma_wait3A_114 = tpu.memref_slice %arg4[%mul3A_97, %dma_wait3A_113] : memref<100000x128xf32, #tpu.memory_space<hbm>> -> memref<128x128xf32, #tpu.memory_space<hbm>>
      %dma_wait3A_115 = arith.constant 0 : i32
      %dma_wait3A_116 = tpu.memref_slice %arg4[%mul3A_97, %dma_wait3A_115] : memref<100000x128xf32, #tpu.memory_space<hbm>> -> memref<128x128xf32, #tpu.memory_space<hbm>>
      %dma_wait3A_117 = arith.constant 0 : i32
      %dma_wait3A_118 = arith.constant 0 : i32
      %dma_wait3A_119 = tpu.memref_slice %arg6[%cond3A_101, %dma_wait3A_117, %dma_wait3A_118] : memref<5x128x128xf32, #tpu.memory_space<vmem>> -> memref<1x128x128xf32, #tpu.memory_space<vmem>>
      %dma_wait3A_120 = tpu.memref_squeeze %dma_wait3A_119 : memref<1x128x128xf32, #tpu.memory_space<vmem>> -> memref<128x128xf32, #tpu.memory_space<vmem>>
      tpu.wait_dma2 semaphore(%arg18 : memref<!tpu.dma_semaphore, #tpu.memory_space<semaphore_mem>>) src(%dma_wait3A_120 : memref<128x128xf32, #tpu.memory_space<vmem>>) dst(%dma_wait3A_116 : memref<128x128xf32, #tpu.memory_space<hbm>>)
    } else {
    }
    %eq3A_104 = arith.constant 781 : i32
    %eq3A_105 = arith.cmpi eq, %add3A_95, %eq3A_104 : i32
    %convert_element_type3A_106 = arith.extui %eq3A_105 : i1 to i32
    %cond3A_107 = arith.constant 4 : i32
    %cond3A_108 = arith.constant 0 : i32
    %cond3A_109 = arith.cmpi ne, %convert_element_type3A_106, %cond3A_108 : i32
    scf.if %cond3A_109 {
      %dma_wait3A = arith.constant 0 : i32
      %dma_wait3A_110 = arith.constant 0 : i32
      %dma_wait3A_111 = tpu.memref_slice %arg6[%cond3A_107, %dma_wait3A, %dma_wait3A_110] : memref<5x128x128xf32, #tpu.memory_space<vmem>> -> memref<1x32x128xf32, #tpu.memory_space<vmem>>
      %dma_wait3A_112 = tpu.memref_squeeze %dma_wait3A_111 : memref<1x32x128xf32, #tpu.memory_space<vmem>> -> memref<32x128xf32, #tpu.memory_space<vmem>>
      %dma_wait3A_113 = arith.constant 99968 : i32
      %dma_wait3A_114 = arith.constant 0 : i32
      %dma_wait3A_115 = tpu.memref_slice %arg4[%dma_wait3A_113, %dma_wait3A_114] : memref<100000x128xf32, #tpu.memory_space<hbm>> -> memref<32x128xf32, #tpu.memory_space<hbm>>
      %dma_wait3A_116 = arith.constant 99968 : i32
      %dma_wait3A_117 = arith.constant 0 : i32
      %dma_wait3A_118 = tpu.memref_slice %arg4[%dma_wait3A_116, %dma_wait3A_117] : memref<100000x128xf32, #tpu.memory_space<hbm>> -> memref<32x128xf32, #tpu.memory_space<hbm>>
      %dma_wait3A_119 = arith.constant 0 : i32
      %dma_wait3A_120 = arith.constant 0 : i32
      %dma_wait3A_121 = tpu.memref_slice %arg6[%cond3A_107, %dma_wait3A_119, %dma_wait3A_120] : memref<5x128x128xf32, #tpu.memory_space<vmem>> -> memref<1x32x128xf32, #tpu.memory_space<vmem>>
      %dma_wait3A_122 = tpu.memref_squeeze %dma_wait3A_121 : memref<1x32x128xf32, #tpu.memory_space<vmem>> -> memref<32x128xf32, #tpu.memory_space<vmem>>
      tpu.wait_dma2 semaphore(%arg18 : memref<!tpu.dma_semaphore, #tpu.memory_space<semaphore_mem>>) src(%dma_wait3A_122 : memref<32x128xf32, #tpu.memory_space<vmem>>) dst(%dma_wait3A_118 : memref<32x128xf32, #tpu.memory_space<hbm>>)
    } else {
    }
    return
  }
}

</mosaic_0001>

<sc_bundles>
// kernel: kernel.3.cloned.1.call-start
scs
__scs_entry_jumppad:
0x0: {  	(pc) =	sbr.rel $0x88, $3  }
0x1: {  	(tag) =	ssettag $0x0;
	lr =	simm.s32 $0x1  }
0x2: {  	[smem:$0x3F9F] =	sst lr;
	_ =	strace $0xD0000000  }
0x3: {  	_ = 	snop  }
0x4: {  	_ = 	snop  }
0x5: {  	_ = 	snop  }
0x6: {  	_ = 	snop  }
0x7: {  	_ = 	snop  }
__scs_overlays_trampoline_lowered:
0x8: {  	[smem:$0x3FAE] =	sst s0  }
0x9: {  	[smem:$0x3FAF] =	sst s1  }
0xa: {  	[smem:$0x3FB0] =	sst s2  }
0xb: {  	[smem:$0x3FB1] =	sst s3  }
0xc: {  	[smem:$0x3FB2] =	sst s4  }
0xd: {  	[smem:$0x3FB3] =	sst s5  }
0xe: {  	[smem:$0x3FB4] =	sst s6  }
0xf: {  	[smem:$0x3FB5] =	sst s7  }
0x10: {  	[smem:$0x3FB6] =	sst s8  }
0x11: {  	[smem:$0x3FB7] =	sst s9;
	s0 =	simm.s32 @!p0 $0x0  }
0x12: {  	s1 =	sld [smem:$0x3F9D];
	s0 =	simm.s32 @p0 $0x1  }
0x13: {  	[smem:$0x3FB8] =	sst s0;
	s0 =	simm.s32 @!p1 $0x0  }
0x14: {  	s2 =	sld [smem:$0x3F9C];
	s0 =	simm.s32 @p1 $0x1  }
0x15: {  	[smem:$0x3FB9] =	sst s0;
	s0 =	simm.s32 @!p2 $0x0  }
0x16: {  	s3 =	sld [smem:$0x3FDB];
	s0 =	simm.s32 @p2 $0x1  }
0x17: {  	s4 =	simm.s32 $0x1BF5;
	[smem:$0x3FBB] =	sst s0  }
0x18: {  	s0 =	sld [smem:$0x3F9E];
	_ =	swait.ge [sflag:s4], $0x0  }
0x19: {  	s7 =	sld [smem:$0x3F9F]  }
0x1a: {  	s8 =	sadd.s32 $0xFFFFE003, lr  }
0x1b: {  	s9 =	sadd.s32 $0xFFFFFEF7, lr;
	s5 =	simm.s32 $0xFFFFFFFF;
	p2 =	slt.u32 s8, $0xFFFFF086  }
0x1c: {  	p1 =	slt.u32 s9, $0xF7A;
	s5 =	simm.s32 @!p2 $0x0  }
0x1d: {  	s5 =	simm.s32 @p1 $0x1;
	p0 =	seq.s32 s7, s2  }
0x1e: {  	s7 =	smul.u32 @!p0 $0xF7A, s2;
	p2 =	seq.s32 @!p0 s5, $0x0  }
0x1f: {  	s9 =	smul.u32 $0xF7A, s1;
	s8 =	simm.s32 @!p0 $0x1BF5;
	p2 =	por !p2, p0  }
0x20: {  	[sflag:s8] =	ssyncset.s32 @!p0 $0xFFFFF086;
	s6 =	sadd.s32 @!p0 s3, s7;
	s7 =	simm.s32 @!p0 $0x108  }
0x21: {  	s3 =	sadd.s32 s3, s9;
	s6 =	sadd.s32 @!p0 $0x88, s6;
	s7 =	simm.s32 @p2 $0x1082  }
0x22: {  	[simem:s7], [sflag:s8] =	dma.local @!p0 [hbm:s6], $0xF7A  }
0x23: {  	s9 =	sor.u32 $0xD0000000, s2;
	s6 =	simm.s32 $0x108;
	_ =	swait.ge @!p0 [sflag:s8], $0x0  }
0x24: {  	s3 =	sadd.s32 $0x88, s3;
	s6 =	simm.s32 @!p1 $0x1082;
	[sflag:s4] =	ssyncset.s32 $0xFFFFF086  }
0x25: {  	[simem:s6], [sflag:s4] =	dma.local [hbm:s3], $0xF7A  }
0x26: {  	[smem:$0x3F9F] =	sst s1;
	(tag) =	ssettag s2;
	_ =	strace s9  }
0x27: {  	s1 =	sld [smem:$0x3FAF]  }
0x28: {  	s2 =	sld [smem:$0x3FB0]  }
0x29: {  	s4 =	sld [smem:$0x3FB2]  }
0x2a: {  	p0 =	seq.s32 s5, $0x0;
	s5 =	sld [smem:$0x3FB3]  }
0x2b: {  	s6 =	sld [smem:$0x3FB4]  }
0x2c: {  	s7 =	sld [smem:$0x3FB5]  }
0x2d: {  	s3 =	simm.s32 $0x108;
	s8 =	sld [smem:$0x3FB6]  }
0x2e: {  	s3 =	simm.s32 @!p0 $0x1082;
	s9 =	sld [smem:$0x3FB7]  }
0x2f: {  	lr =	sadd.s32 s0, s3;
	s0 =	sld [smem:$0x3FAE]  }
0x30: {  	s3 =	sld [smem:$0x3FB1]  }
0x31: {  	[smem:$0x3FBA] =	sst s10  }
0x32: {  	s10 =	sld [smem:$0x3FB8];
	_ =	sdelay $0x3  }
0x33: {  	p0 =	seq.s32 s10, $0x1;
	s10 =	sld [smem:$0x3FBA];
	_ =	sdelay $0x3  }
0x34: {  	[smem:$0x3FBA] =	sst s10  }
0x35: {  	s10 =	sld [smem:$0x3FB9];
	_ =	sdelay $0x3  }
0x36: {  	p1 =	seq.s32 s10, $0x1;
	s10 =	sld [smem:$0x3FBA];
	_ =	sdelay $0x3  }
0x37: {  	[smem:$0x3FBA] =	sst s10  }
0x38: {  	s10 =	sld [smem:$0x3FBB]  }
0x39: {  	_ = 	snop;
	(pc) =	sbr.ind lr, $3  }
0x3a: {  	_ = 	snop  }
0x3b: {  	_ = 	snop  }
0x3c: {  	p2 =	seq.s32 s10, $0x1;
	s10 =	sld [smem:$0x3FBA]  }
0x3d: {  	_ =	shalt  }
0x3e: {  	_ =	shalt  }
0x3f: {  	_ =	shalt  }
0x40: {  	_ =	shalt  }
0x41: {  	_ =	shalt  }
0x42: {  	_ =	shalt  }
0x43: {  	_ =	shalt  }
0x44: {  	_ =	shalt  }
0x45: {  	_ =	shalt  }
0x46: {  	_ =	shalt  }
0x47: {  	_ =	shalt  }
0x48: {  	_ =	shalt  }
0x49: {  	_ =	shalt  }
0x4a: {  	_ =	shalt  }
0x4b: {  	_ =	shalt  }
0x4c: {  	_ =	shalt  }
0x4d: {  	_ =	shalt  }
0x4e: {  	_ =	shalt  }
0x4f: {  	_ =	shalt  }
0x50: {  	_ =	shalt  }
0x51: {  	_ =	shalt  }
0x52: {  	_ =	shalt  }
0x53: {  	_ =	shalt  }
0x54: {  	_ =	shalt  }
0x55: {  	_ =	shalt  }
0x56: {  	_ =	shalt  }
0x57: {  	_ =	shalt  }
0x58: {  	_ =	shalt  }
0x59: {  	_ =	shalt  }
0x5a: {  	_ =	shalt  }
0x5b: {  	_ =	shalt  }
0x5c: {  	_ =	shalt  }
0x5d: {  	_ =	shalt  }
0x5e: {  	_ =	shalt  }
0x5f: {  	_ =	shalt  }
0x60: {  	_ =	shalt  }
0x61: {  	_ =	shalt  }
0x62: {  	_ =	shalt  }
0x63: {  	_ =	shalt  }
0x64: {  	_ =	shalt  }
0x65: {  	_ =	shalt  }
0x66: {  	_ =	shalt  }
0x67: {  	_ =	shalt  }
0x68: {  	_ =	shalt  }
0x69: {  	_ =	shalt  }
0x6a: {  	_ =	shalt  }
0x6b: {  	_ =	shalt  }
0x6c: {  	_ =	shalt  }
0x6d: {  	_ =	shalt  }
0x6e: {  	_ =	shalt  }
0x6f: {  	_ =	shalt  }
0x70: {  	_ =	shalt  }
0x71: {  	_ =	shalt  }
0x72: {  	_ =	shalt  }
0x73: {  	_ =	shalt  }
0x74: {  	_ =	shalt  }
0x75: {  	_ =	shalt  }
0x76: {  	_ =	shalt  }
0x77: {  	_ =	shalt  }
0x78: {  	_ =	shalt  }
0x79: {  	_ =	shalt  }
0x7a: {  	_ =	shalt  }
0x7b: {  	_ =	shalt  }
0x7c: {  	_ =	shalt  }
0x7d: {  	_ =	shalt  }
0x7e: {  	_ =	shalt  }
0x7f: {  	_ =	shalt  }
0x80: {  	_ =	shalt  }
0x81: {  	_ =	shalt  }
0x82: {  	_ =	shalt  }
0x83: {  	_ =	shalt  }
0x84: {  	_ =	shalt  }
0x85: {  	_ =	shalt  }
0x86: {  	_ =	shalt  }
0x87: {  	_ =	shalt  }
.Lfunc_end0:
.L_simem_size_0:
called_computation_lowered:
.L_overlay_start_0:
0x88: {  	s2 =	sld [smem:$0x3FD9]  }
0x89: {  	s3 =	sld [smem:$0x3FFE];
	_ =	sdelay $0x1  }
0x8a: {  	s1 =	srdreg.scid  }
0x8b: {  	s0 =	sand.u32 $0x1, s1  }
0x8c: {  	s18 =	sshll.u32 s0, $0xA;
	s2 =	sadd.s32 s3, s2  }
0x8d: {  	s2 =	sadd.s32 s2, s18  }
0x8e: {  	[smem:$0x3FC6] =	sst s2  }
0x8f: {  	_ = 	snop  }
0x90: {  	s2 =	sld [smem:$0x3FC9]  }
0x91: {  	s19 =	sld [smem:$0x3FC8]  }
0x92: {  	s4 =	sld [smem:$0x3FD0];
	(tm) =	ssettm $0x1  }
0x93: {  	s5 =	sld [smem:$0x3FFB];
	_ =	sdelay $0x3  }
0x94: {  	_ =	strace s5  }
0x95: {  	s5 =	sld [smem:$0x3FFC];
	_ =	sdelay $0x3  }
0x96: {  	_ =	strace s5  }
0x97: {  	s5 =	sld [smem:$0x3FFD];
	_ =	sdelay $0x3  }
0x98: {  	_ =	strace s5  }
0x99: {  	_ =	strace $0x8FFFFFFF  }
0x9a: {  	s20 =	sld [smem:$0x3FDB];
	_ =	sdelay $0x1  }
0x9b: {  	s6 =	simm.s32 $_scs_section_size  }
0x9c: {  	s7 =	simm.s32 $_size__tile_overlayer_lowered;
	s8 =	simm.s32 $_tile_overlayer_lowered  }
0x9d: {  	s23 =	simm.s32 $0x1BFF;
	s22 =	sshll.u32 s8, $0x1;
	s5 =	sadd.s32 s6, s20  }
0x9e: {  	s9 =	simm.s32 $0x0;
	s21 =	sshll.u32 s7, $0x1;
	s7 =	sadd.s32 s22, s5  }
0x9f: {  	[timem:s9], [sflag:s23] =	dma.local [hbm:s7], s21  }
0xa0: {  	_ =	swait.ge [sflag:s23], s21  }
0xa1: {  	s6 =	ssub.s32 $0x0, s21;
	[sflag:s23] =	ssyncset.done $0x0  }
0xa2: {  	[sflag:s23] =	ssyncadd.s32 s6;
	_ =	sdelay $0x1  }
0xa3: {  	s24 =	simm.s32 $0x1B8B  }
0xa4: {  	_ =	swait.ge [sflag:s24], $0x1  }
0xa5: {  	[sflag:s24] =	ssyncset.done $0x0  }
0xa6: {  	s25 =	simm.s32 $0x1B8E;
	[sflag:s24] =	ssyncadd.s32 $0xFFFFFFFF  }
0xa7: {  	s26 =	simm.s32 $execute0_lowered;
	[smem:$0x3FD2] =	sst s25  }
0xa8: {  	s6 =	sshll.u32 s26, $0x1;
	_ =	strace $0x80000046;
	[dreg:$0x1] =	wrdreg $0xFFFFFFFF  }
0xa9: {  	s28 =	simm.s32 $_size_execute0_lowered;
	s5 =	sadd.s32 s5, s6;
	[dreg:$0x0] =	wrdreg $0x0  }
0xaa: {  	s6 =	sshll.u32 s28, $0x1;
	[dreg:$0x2] =	wrdreg s5  }
0xab: {  	[dreg:$0x3] =	wrdreg s6  }
0xac: {  	[dreg:$0x4] =	wrdreg $0xC0  }
0xad: {  	_ =	task [dreg:s9], $0x5FFFF  }
0xae: {  	[dreg:$0x1] =	wrdreg $0xFFFFFFFF  }
0xaf: {  	[dreg:$0x0] =	wrdreg $0x60  }
0xb0: {  	[dreg:$0x2] =	wrdreg s2  }
0xb1: {  	[dreg:$0x3] =	wrdreg s19  }
0xb2: {  	[dreg:$0x4] =	wrdreg s4  }
0xb3: {  	[dreg:$0x5] =	wrdreg $0x14C800  }
0xb4: {  	[dreg:$0x6] =	wrdreg $0x9  }
0xb5: {  	_ =	task.clear_ibuf [dreg:s9], $0x7FFFF;
	_ =	strace $0x90000046  }
0xb6: {  	s29 =	simm.s32 $0x9;
	_ =	strace $0x80000048  }
0xb7: {  	_ =	swait.ge [sflag:s29], $0x1  }
0xb8: {  	[sflag:s29] =	ssyncadd.s32 $0xFFFFFFFF  }
0xb9: {  	_ =	strace $0x90000048  }
0xba: {  	_ =	sfence  }
0xbb: {  	s30 =	sld [smem:$0x0];
	_ =	sdelay $0x2  }
0xbc: {  	s31 =	sshll.u32 s1, $0xD;
	s1 =	sshrl.u32 s1, $0x2  }
0xbd: {  	s3 =	sand.u32 $0x4000, s31;
	s1 =	sadd.s32 s1, s30  }
0xbe: {  	s0 =	sor.u32 s3, s0;
	s1 =	sshll.u32 s1, $0x11  }
0xbf: {  	s0 =	sor.u32 s1, s0  }
0xc0: {  	s0 =	sadd.s32 $0x8F2B, s0  }
0xc1: {  	[sflag:s0] =	ssyncadd.remote.s32 $0x1  }
0xc2: {  	_ =	sfence.sel $0xFFFF  }
0xc3: {  	[dreg:$0x0] =	wrdreg $0xFFFFFFFF;
	(pc) =	sbr.abs _section_cstart, $3  }
0xc4: {  	[dreg:$0x1] =	wrdreg $0xFFFFFFFF  }
0xc5: {  	_ =	task.clear_ibuf [dreg:s9], $0x2FFFF;
	_ =	strace $0x9FFFFFFF  }
0xc6: {  	(tm) =	ssettm $0x7FFFFFFF  }
0xc7: {  	_ =	shalt  }
tec
execute0_lowered:
.L_overlay_start_1:
0x0: {  	(tag) =	ssettag $0x1  }
0x1: {  	s7 =	rddreg [dreg:$0x0]  }
0x2: {  	s0 =	rddreg [dreg:$0x1]  }
0x3: {  	s1 =	srdreg.scid;
	s2 =	rddreg [dreg:$0x2]  }
0x4: {  	s10 =	stileid.u32;
	s3 =	rddreg [dreg:$0x3];
	s4 =	simm.s32 $0x0  }
0x5: {  	s6 =	sand.u32 $0x1, s1;
	s28 =	sshll.u32 s10, $0x1;
	s1 =	rddreg [dreg:$0x4]  }
0x6: {  	[smem:$0x7FF] =	sst s4;
	p0 =	sne.s32 s10, $0x0;
	s11 =	sor.u32 s6, s28  }
0x7: {  	_ =	strace $0x80000047;
	s6 =	ssub.s32 $0x2, s6;
	s5 =	smul.u32 $0x19, s11  }
0x8: {  	s10 =	simm.s32 @!p0 $0x0;
	s9 =	sshrl.u32 s6, $0x1;
	s12 =	smul.u32 $0x190, s11  }
0x9: {  	p3 =	seq.s32 s11, $0x1F;
	s10 =	simm.s32 @p0 $0x1;
	s11 =	simm.s32 $0x0  }
0xa: {  	s9 =	ssub.s32 s6, s9;
	[smem:$0x7FC] =	sst s10;
	s8 =	sadd.s32 $0xFFFFFFFC, s5  }
0xb: {  	s10 =	sshrl.u32 @!p0 s3, $0x3;
	s29 =	sadd.s32 $0xFFFFFFFD, s5;
	[dreg:$0x5] =	wrdreg s8  }
0xc: {  	s30 =	sadd.s32 $0xFFFFFFFE, s5;
	s31 =	sadd.s32 $0xFFFFFFFF, s5;
	[dreg:$0x6] =	wrdreg s29  }
0xd: {  	s6 =	sadd.s32 s7, s12;
	s12 =	simm.s32 @!p3 $0x0;
	[dreg:$0x7] =	wrdreg s30  }
0xe: {  	s7 =	sadd.s32 $0x3070, s7;
	[dreg:$0x8] =	wrdreg s31;
	s12 =	simm.s32 @p3 $0x1  }
0xf: {  	s9 =	smax.u32 s9, $0x1;
	s8 =	sadd.s32 $0x186800, s2;
	[smem:$0x7FD] =	sst s12  }
.LBB2_1:
0x10: {  	s12 =	simm.s32 @p3 $0x0;
	s28 =	sld [smem:$0x7FC]  }
0x11: {  	[tilespmem:s12], [sflag:$0x1] =	stream.linear.gather @p3 [hbm4b:s7+s12], $0x320, $0x38;
	[tilespmem:$0x14FA0] =	vst v63  }
0x12: {  	s12 =	simm.s32 @!p3 $0x0  }
0x13: {  	[tilespmem:s12], [sflag:$0x1] =	stream.linear.gather @!p3 [hbm4b:s6+s12], $0xC80, $0x38;
	[tilespmem:$0x14FA0] =	vst v63  }
0x14: {  	p0 =	seq.s32 s28, $0x1  }
0x15: {  	s12 =	simm.s32 @!p0 $0x1C0C  }
0x16: {  	[spmem:s10], [sflag:s12] =	dma.local @!p0 [hbm:s0], $0x640  }
0x17: {  	s12 =	simm.s32 @!p0 $0xC  }
0x18: {  	_ =	swait.ge @!p0 [sflag:s12], $0x640  }
0x19: {  	p5 =	por $0x1, $0x1;
	[sflag:s12] =	ssyncset.done @!p0 $0x0  }
0x1a: {  	s13 =	sadd.s32 @!p5 $0x0, s5;
	[sflag:s12] =	ssyncadd.s32 @!p0 $0xFFFFF9C0;
	s12 =	simm.s32 @p3 $0x1  }
0x1b: {  	s14 =	sadd.s32 @!p5 $0xFFFFFFFB, s13;
	_ =	swait.ge @p3 [sflag:s12], $0x320  }
0x1c: {  	s13 =	sadd.s32 @!p5 $0xFFFFFCEE, s13;
	p0 =	sgt.s32 @!p5 s14, $0x30C;
	[sflag:s12] =	ssyncset.done @p3 $0x0  }
0x1d: {  	p1 =	por !p0, p5;
	[sflag:s12] =	ssyncadd.s32 @p3 $0xFFFFFCE0;
	s12 =	simm.s32 @!p3 $0x1  }
0x1e: {  	p1 =	sne.s32 @!p1 s13, $0x0;
	_ =	swait.ge @!p3 [sflag:s12], $0xC80  }
0x1f: {  	p1 =	por @!p5 p1, !p0;
	[sflag:s12] =	ssyncset.done @!p3 $0x0  }
0x20: {  	p1 =	por p1, p5;
	[sflag:s12] =	ssyncadd.s32 @!p3 $0xFFFFF380  }
0x21: {  	s12 =	simm.s32 @!p1 $0x7;
	[bflag:$0x0] =	sbarrier.arrive $0xFFFF  }
0x22: {  	s16 =	simm.s32 $0x0;
	_ =	swait.ge @!p1 [sflag:s12], $0x1000  }
0x23: {  	s16 =	simm.s32 @p5 $0x0;
	p0 =	por p0, p5;
	[sflag:s12] =	ssyncset.done @!p1 $0x0  }
0x24: {  	s13 =	simm.s32 @!p0 $0x7;
	[sflag:s12] =	ssyncadd.s32 @!p1 $0xFFFFF000;
	s12 =	sadd.s32 s5, s16  }
0x25: {  	_ =	swait.ge @!p0 [sflag:s13], $0x4000;
	p6 =	sgt.u32 s12, $0x30C  }
0x26: {  	s14 =	rddreg [dreg:$0x5];
	p3 =	sne.s32 @p6 s12, $0x30D;
	[sflag:s13] =	ssyncset.done @!p0 $0x0  }
0x27: {  	s14 =	sadd.s32 @!p5 s16, s14;
	s15 =	simm.s32 @!p3 $0x0;
	p2 =	por p3, !p6  }
0x28: {  	[sflag:s13] =	ssyncadd.s32 @!p0 $0xFFFFC000;
	s15 =	simm.s32 @p3 $0x1;
	p1 =	sgt.s32 @!p5 s14, $0x30C  }
0x29: {  	[smem:$0x7EF] =	sst s15;
	s15 =	simm.s32 @!p2 $0x0;
	p3 =	por !p1, p5  }
0x2a: {  	s13 =	simm.s32 @!p2 $0xC80;
	s15 =	simm.s32 @p2 $0x1;
	p3 =	sne.s32 @!p3 s14, $0x30D  }
0x2b: {  	[smem:$0x7F0] =	sst s15;
	s15 =	simm.s32 @!p2 $0x20;
	p0 =	por @!p5 p3, !p1  }
0x2c: {  	[tilespmem:s13], [sflag:$0x2] =	stream.indirect.gather @!p2 [spmem:s3], $0x80, s4, s15, $0xb8;
	[tilespmem:$0x14FA0] =	vst v63  }
0x2d: {  	s17 =	simm.s32 @!p6 $0xC80;
	p0 =	por p0, p5  }
0x2e: {  	s13 =	simm.s32 @!p6 $0x80;
	s15 =	sadd.s32 $0x1, s16;
	s14 =	simm.s32 @!p0 $0x8  }
0x2f: {  	[tilespmem:s17], [sflag:$0x2] =	stream.indirect.gather @!p6 [spmem:s3], $0x80, s4, s13, $0xb8;
	[tilespmem:$0x14FA0] =	vst v63  }
0x30: {  	s13 =	sadd.s32 s5, s15;
	_ =	swait.ge @!p0 [sflag:s14], $0x1000  }
0x31: {  	p2 =	sgt.u32 s13, $0x30C;
	[sflag:s14] =	ssyncset.done @!p0 $0x0  }
0x32: {  	[sflag:s14] =	ssyncadd.s32 @!p0 $0xFFFFF000;
	p0 =	sne.s32 @p2 s13, $0x30D  }
0x33: {  	p3 =	por p1, p5;
	s14 =	simm.s32 @!p0 $0x0  }
0x34: {  	s18 =	simm.s32 @!p3 $0x8;
	s14 =	simm.s32 @p0 $0x1;
	p0 =	por p0, !p2  }
0x35: {  	[smem:$0x7F3] =	sst s14;
	s14 =	simm.s32 @!p0 $0x0;
	s19 =	simm.s32 @!p0 $0x4C80  }
0x36: {  	s20 =	simm.s32 @!p0 $0x20;
	_ =	swait.ge @!p3 [sflag:s18], $0x4000;
	s14 =	simm.s32 @p0 $0x1  }
0x37: {  	[sflag:s18] =	ssyncset.done @!p3 $0x0;
	[smem:$0x7F2] =	sst s14;
	s14 =	sshll.u32 @!p0 s15, $0x7  }
0x38: {  	[sflag:s18] =	ssyncadd.s32 @!p3 $0xFFFFC000;
	s18 =	rddreg [dreg:$0x6];
	s14 =	sand.u32 @!p0 $0x3FFFFF80, s14  }
0x39: {  	[tilespmem:s19], [sflag:$0x3] =	stream.indirect.gather @!p0 [spmem:s3], $0x80, s14, s20, $0xb8;
	[tilespmem:$0x14FA0] =	vst v63  }
0x3a: {  	s14 =	sadd.s32 @!p5 s16, s18  }
0x3b: {  	p0 =	sgt.s32 @!p5 s14, $0x30C  }
0x3c: {  	p3 =	por !p0, p5  }
0x3d: {  	p3 =	sne.s32 @!p3 s14, $0x30D  }
0x3e: {  	s18 =	simm.s32 @!p2 $0x4C80;
	s14 =	sshll.u32 @!p2 s15, $0x7;
	p3 =	por @!p5 p3, !p0  }
0x3f: {  	s15 =	simm.s32 @!p2 $0x80;
	s14 =	sand.u32 @!p2 $0x3FFFFF80, s14;
	p3 =	por p3, p5  }
0x40: {  	[tilespmem:s18], [sflag:$0x3] =	stream.indirect.gather @!p2 [spmem:s3], $0x80, s14, s15, $0xb8;
	[tilespmem:$0x14FA0] =	vst v63  }
0x41: {  	s19 =	simm.s32 @!p3 $0x9  }
0x42: {  	s14 =	sadd.s32 $0x2, s16;
	_ =	swait.ge @!p3 [sflag:s19], $0x1000  }
0x43: {  	s15 =	sadd.s32 s5, s14;
	[sflag:s19] =	ssyncset.done @!p3 $0x0  }
0x44: {  	p0 =	por p0, p5;
	[sflag:s19] =	ssyncadd.s32 @!p3 $0xFFFFF000;
	p3 =	sgt.u32 s15, $0x30C  }
0x45: {  	s19 =	simm.s32 @!p0 $0x9;
	p4 =	sne.s32 @p3 s15, $0x30D  }
0x46: {  	_ =	swait.ge @!p0 [sflag:s19], $0x4000;
	s20 =	simm.s32 @!p4 $0x0  }
0x47: {  	[sflag:s19] =	ssyncset.done @!p0 $0x0;
	s20 =	simm.s32 @p4 $0x1;
	p4 =	por p4, !p3  }
0x48: {  	[sflag:s19] =	ssyncadd.s32 @!p0 $0xFFFFC000;
	[smem:$0x7F5] =	sst s20;
	s19 =	simm.s32 @!p4 $0x0  }
0x49: {  	s20 =	rddreg [dreg:$0x7];
	s19 =	simm.s32 @p4 $0x1  }
0x4a: {  	[smem:$0x7F4] =	sst s19;
	s19 =	sshll.u32 @!p4 s14, $0x7  }
0x4b: {  	s21 =	simm.s32 @!p4 $0x20;
	s22 =	simm.s32 @!p4 $0x8C80;
	s19 =	sand.u32 @!p4 $0x3FFFFF80, s19  }
0x4c: {  	[tilespmem:s22], [sflag:$0x4] =	stream.indirect.gather @!p4 [spmem:s3], $0x80, s19, s21, $0xb8;
	[tilespmem:$0x14FA0] =	vst v63  }
0x4d: {  	s19 =	sadd.s32 @!p5 s16, s20  }
0x4e: {  	p0 =	sgt.s32 @!p5 s19, $0x30C  }
0x4f: {  	s14 =	sshll.u32 @!p3 s14, $0x7;
	p4 =	por !p0, p5  }
0x50: {  	s14 =	sand.u32 @!p3 $0x3FFFFF80, s14;
	p4 =	sne.s32 @!p4 s19, $0x30D  }
0x51: {  	s20 =	simm.s32 @!p3 $0x8C80;
	s19 =	simm.s32 @!p3 $0x80;
	p4 =	por @!p5 p4, !p0  }
0x52: {  	[tilespmem:s20], [sflag:$0x4] =	stream.indirect.gather @!p3 [spmem:s3], $0x80, s14, s19, $0xb8;
	[tilespmem:$0x14FA0] =	vst v63  }
0x53: {  	s14 =	sadd.s32 $0x3, s16;
	p4 =	por p4, p5  }
0x54: {  	s19 =	sadd.s32 s5, s14;
	s21 =	simm.s32 @!p4 $0xA  }
0x55: {  	p1 =	por p0, p5;
	p0 =	sgt.u32 s19, $0x30C;
	_ =	swait.ge @!p4 [sflag:s21], $0x1000  }
0x56: {  	s22 =	simm.s32 @!p0 $0x0;
	[sflag:s21] =	ssyncset.done @!p4 $0x0  }
0x57: {  	s22 =	simm.s32 @p0 $0x1;
	[sflag:s21] =	ssyncadd.s32 @!p4 $0xFFFFF000  }
0x58: {  	s21 =	simm.s32 @!p1 $0xA;
	[smem:$0x7F6] =	sst s22;
	p4 =	sne.s32 @p0 s19, $0x30D  }
0x59: {  	_ =	swait.ge @!p1 [sflag:s21], $0x4000;
	s22 =	simm.s32 @!p4 $0x0  }
0x5a: {  	s22 =	simm.s32 @p4 $0x1;
	[sflag:s21] =	ssyncset.done @!p1 $0x0;
	p4 =	por p4, !p0  }
0x5b: {  	[smem:$0x7F8] =	sst s22;
	[sflag:s21] =	ssyncadd.s32 @!p1 $0xFFFFC000;
	s21 =	simm.s32 @!p4 $0x0  }
0x5c: {  	s22 =	rddreg [dreg:$0x8];
	s21 =	simm.s32 @p4 $0x1  }
0x5d: {  	[smem:$0x7F7] =	sst s21;
	s21 =	sshll.u32 @!p4 s14, $0x7  }
0x5e: {  	s23 =	simm.s32 @!p4 $0xCC80;
	s24 =	simm.s32 @!p4 $0x20;
	s21 =	sand.u32 @!p4 $0x3FFFFF80, s21  }
0x5f: {  	[tilespmem:s23], [sflag:$0x5] =	stream.indirect.gather @!p4 [spmem:s3], $0x80, s21, s24, $0xb8;
	[tilespmem:$0x14FA0] =	vst v63  }
0x60: {  	s21 =	sadd.s32 @!p5 s16, s22  }
0x61: {  	p1 =	sgt.s32 @!p5 s21, $0x30C  }
0x62: {  	p4 =	por !p1, p5  }
0x63: {  	s22 =	simm.s32 @!p0 $0x80;
	s23 =	sshll.u32 @!p0 s14, $0x7;
	p4 =	sne.s32 @!p4 s21, $0x30D  }
0x64: {  	s14 =	simm.s32 @!p0 $0xCC80;
	s21 =	sand.u32 @!p0 $0x3FFFFF80, s23;
	p4 =	por @!p5 p4, !p1  }
0x65: {  	[tilespmem:s14], [sflag:$0x5] =	stream.indirect.gather @!p0 [spmem:s3], $0x80, s21, s22, $0xb8;
	[tilespmem:$0x14FA0] =	vst v63  }
0x66: {  	p4 =	por p4, p5  }
0x67: {  	s21 =	simm.s32 @!p4 $0xB  }
0x68: {  	_ =	swait.ge @!p4 [sflag:s21], $0x1000  }
0x69: {  	s16 =	sadd.s32 $0x4, s16;
	p0 =	por p1, p5;
	[sflag:s21] =	ssyncset.done @!p4 $0x0  }
0x6a: {  	s22 =	sadd.s32 s5, s16;
	[sflag:s21] =	ssyncadd.s32 @!p4 $0xFFFFF000;
	s21 =	simm.s32 @!p0 $0xB  }
0x6b: {  	p4 =	sgt.u32 s22, $0x30C;
	_ =	swait.ge @!p0 [sflag:s21], $0x4000  }
0x6c: {  	p1 =	sne.s32 @p4 s22, $0x30D;
	s29 =	sld [smem:$0x7EF]  }
0x6d: {  	[sflag:s21] =	ssyncset.done @!p0 $0x0;
	s23 =	simm.s32 @!p1 $0x0;
	p5 =	por p1, !p4  }
0x6e: {  	s30 =	sld [smem:$0x7F0];
	s23 =	simm.s32 @p1 $0x1;
	[sflag:s21] =	ssyncadd.s32 @!p0 $0xFFFFC000  }
0x6f: {  	[smem:$0x7FA] =	sst s23;
	s23 =	simm.s32 @!p5 $0x0;
	p0 =	seq.s32 s29, $0x1  }
0x70: {  	p1 =	por p6, p6;
	s23 =	simm.s32 @p5 $0x1;
	p0 =	por !p0, !p6  }
0x71: {  	s24 =	simm.s32 @!p5 $0x20;
	[smem:$0x7F9] =	sst s23;
	s21 =	simm.s32 @!p0 $0x0  }
0x72: {  	s23 =	simm.s32 @!p5 $0x10C80;
	s21 =	simm.s32 @p0 $0x1;
	p0 =	seq.s32 s30, $0x1  }
0x73: {  	[smem:$0x7F1] =	sst s21;
	s21 =	sshll.u32 @!p4 s16, $0x7;
	s16 =	sshll.u32 @!p5 s16, $0x7  }
0x74: {  	p0 =	por @!p0 $0x1, $0x1;
	s16 =	sand.u32 @!p5 $0x3FFFFF80, s16;
	s31 =	sld [smem:$0x7F1]  }
0x75: {  	[tilespmem:s23], [sflag:$0x6] =	stream.indirect.gather @!p5 [spmem:s3], $0x80, s16, s24, $0xb8;
	[tilespmem:$0x14FA0] =	vst v63  }
0x76: {  	s21 =	sand.u32 @!p4 $0x3FFFFF80, s21;
	s23 =	simm.s32 @!p4 $0x80;
	s16 =	simm.s32 @!p4 $0x10C80  }
0x77: {  	[tilespmem:s16], [sflag:$0x6] =	stream.indirect.gather @!p4 [spmem:s3], $0x80, s21, s23, $0xb8;
	[tilespmem:$0x14FA0] =	vst v63  }
0x78: {  	s21 =	simm.s32 @!p6 $0x2;
	p6 =	por @p6 $0x0, $0x0;
	p5 =	seq.s32 s31, $0x1  }
0x79: {  	p0 =	por @!p5 p6, p6;
	_ =	swait.ge @!p1 [sflag:s21], $0x4000;
	p6 =	por @!p1 $0x0, $0x0  }
0x7a: {  	p0 =	por @!p1 p6, p6;
	[sflag:s21] =	ssyncset.done @!p1 $0x0  }
0x7b: {  	[sflag:s21] =	ssyncadd.s32 @!p1 $0xFFFFC000;
	s21 =	simm.s32 @p0 $0x2  }
0x7c: {  	s12 =	sshll.u32 @!p1 s12, $0xB;
	_ =	swait.ge @p0 [sflag:s21], $0x1000  }
0x7d: {  	s12 =	sadd.s32 @!p1 s2, s12;
	[sflag:s21] =	ssyncset.done @p0 $0x0  }
0x7e: {  	s23 =	sld [smem:$0x7F3];
	[sflag:s21] =	ssyncadd.s32 @p0 $0xFFFFF000;
	s21 =	simm.s32 @!p1 $0x0  }
0x7f: {  	[hbm4b:s12+s21] =	stream.linear.scatter @!p1 [tilespmem:s17], [sflag:$0x7], $0x4000, $0x38;
	[tilespmem:$0x14FA0] =	vst v63  }
0x80: {  	s21 =	sld [smem:$0x7F2]  }
0x81: {  	s12 =	simm.s32 @p0 $0x0;
	s17 =	simm.s32 @p0 $0xC80  }
0x82: {  	[hbm4b:s8+s12] =	stream.linear.scatter @p0 [tilespmem:s17], [sflag:$0x7], $0x1000, $0x38;
	[tilespmem:$0x14FA0] =	vst v63  }
0x83: {  	p6 =	por @p2 $0x0, $0x0;
	p1 =	seq.s32 s23, $0x1;
	p0 =	seq.s32 s21, $0x1  }
0x84: {  	p5 =	por !p1, !p2;
	s12 =	simm.s32 @!p2 $0x3;
	p0 =	por @!p0 $0x1, $0x1  }
0x85: {  	_ =	swait.ge @!p2 [sflag:s12], $0x4000;
	p0 =	por @!p5 p6, p6;
	p5 =	por @!p2 $0x0, $0x0  }
0x86: {  	[sflag:s12] =	ssyncset.done @!p2 $0x0;
	p0 =	por @!p2 p5, p5  }
0x87: {  	[sflag:s12] =	ssyncadd.s32 @!p2 $0xFFFFC000;
	s12 =	simm.s32 @p0 $0x3  }
0x88: {  	s13 =	sshll.u32 @!p2 s13, $0xB;
	_ =	swait.ge @p0 [sflag:s12], $0x1000  }
0x89: {  	s13 =	sadd.s32 @!p2 s2, s13;
	[sflag:s12] =	ssyncset.done @p0 $0x0;
	s24 =	sld [smem:$0x7F4]  }
0x8a: {  	s25 =	sld [smem:$0x7F5];
	[sflag:s12] =	ssyncadd.s32 @p0 $0xFFFFF000;
	s12 =	simm.s32 @!p2 $0x0  }
0x8b: {  	[hbm4b:s13+s12] =	stream.linear.scatter @!p2 [tilespmem:s18], [sflag:$0x8], $0x4000, $0x38;
	[tilespmem:$0x14FA0] =	vst v63  }
0x8c: {  	s12 =	simm.s32 @p0 $0x0;
	s13 =	simm.s32 @p0 $0x4C80  }
0x8d: {  	[hbm4b:s8+s12] =	stream.linear.scatter @p0 [tilespmem:s13], [sflag:$0x8], $0x1000, $0x38;
	[tilespmem:$0x14FA0] =	vst v63  }
0x8e: {  	p5 =	por @p3 $0x0, $0x0;
	p2 =	seq.s32 s25, $0x1;
	p0 =	seq.s32 s24, $0x1  }
0x8f: {  	p1 =	por !p2, !p3;
	s12 =	simm.s32 @!p3 $0x4;
	p0 =	por @!p0 $0x1, $0x1  }
0x90: {  	_ =	swait.ge @!p3 [sflag:s12], $0x4000;
	p0 =	por @!p1 p5, p5;
	p1 =	por @!p3 $0x0, $0x0  }
0x91: {  	[sflag:s12] =	ssyncset.done @!p3 $0x0;
	p0 =	por @!p3 p1, p1  }
0x92: {  	[sflag:s12] =	ssyncadd.s32 @!p3 $0xFFFFC000;
	s12 =	simm.s32 @p0 $0x4  }
0x93: {  	_ =	swait.ge @p0 [sflag:s12], $0x1000  }
0x94: {  	s26 =	sld [smem:$0x7F6]  }
0x95: {  	s13 =	sshll.u32 @!p3 s15, $0xB;
	s28 =	sld [smem:$0x7F7]  }
0x96: {  	s13 =	sadd.s32 @!p3 s2, s13;
	[sflag:s12] =	ssyncset.done @p0 $0x0;
	s29 =	sld [smem:$0x7F8]  }
0x97: {  	s30 =	sld [smem:$0x7F9];
	[sflag:s12] =	ssyncadd.s32 @p0 $0xFFFFF000;
	s12 =	simm.s32 @!p3 $0x0  }
0x98: {  	[hbm4b:s13+s12] =	stream.linear.scatter @!p3 [tilespmem:s20], [sflag:$0x9], $0x4000, $0x38;
	[tilespmem:$0x14FA0] =	vst v63  }
0x99: {  	s31 =	sld [smem:$0x7FA];
	s12 =	simm.s32 @p0 $0x0;
	s13 =	simm.s32 @p0 $0x8C80  }
0x9a: {  	p6 =	seq.s32 s26, $0x1;
	p1 =	seq.s32 s28, $0x1;
	p3 =	seq.s32 s29, $0x1  }
0x9b: {  	[hbm4b:s8+s12] =	stream.linear.scatter @p0 [tilespmem:s13], [sflag:$0x9], $0x1000, $0x38;
	[tilespmem:$0x14FA0] =	vst v63  }
0x9c: {  	p0 =	por @p6 $0x0, $0x0;
	p1 =	por @!p1 $0x1, $0x1;
	p3 =	por !p3, !p6  }
0x9d: {  	p1 =	por @!p3 p0, p0;
	p0 =	por @!p6 $0x0, $0x0  }
0x9e: {  	p5 =	seq.s32 s31, $0x1;
	p1 =	por @!p6 p0, p0;
	p0 =	seq.s32 s30, $0x1  }
0x9f: {  	p2 =	por @!p0 $0x1, $0x1;
	p0 =	por !p5, !p4  }
0xa0: {  	s12 =	simm.s32 $0x5;
	s21 =	sshll.u32 @!p6 s19, $0xB;
	s13 =	simm.s32 @!p0 $0x0  }
0xa1: {  	s19 =	simm.s32 @!p6 $0x5;
	s17 =	simm.s32 @p1 $0x0;
	s13 =	simm.s32 @p0 $0x1  }
0xa2: {  	s18 =	simm.s32 @p1 $0xCC80;
	[smem:$0x7FB] =	sst s13;
	s13 =	sshll.u32 @!p4 s22, $0xB  }
0xa3: {  	s23 =	sadd.s32 @!p4 s2, s13;
	_ =	swait.ge @!p6 [sflag:s19], $0x4000;
	s13 =	simm.s32 $0x0  }
.LBB2_2:
0xa4: {  	s15 =	smov.u32 s12;
	s12 =	sadd.s32 $0x5, s12  }
0xa5: {  	p0 =	sne.s32 s12, $0x19  }
0xa6: {  	s13 =	sadd.s32 $0x280, s13;
	[sflag:s19] =	ssyncset.done @!p6 $0x0;
	s20 =	simm.s32 @!p0 $0x0  }
0xa7: {  	s21 =	sadd.s32 @!p6 s2, s21;
	[sflag:s19] =	ssyncadd.s32 @!p6 $0xFFFFC000;
	s20 =	simm.s32 @p0 $0x1  }
0xa8: {  	s19 =	simm.s32 @p1 $0x5;
	p5 =	seq.s32 s15, $0x0;
	[smem:$0x7EE] =	sst s20  }
0xa9: {  	s22 =	sadd.s32 @!p5 s15, s5;
	s15 =	simm.s32 @p5 $0x0;
	_ =	swait.ge @p1 [sflag:s19], $0x1000  }
0xaa: {  	s24 =	sadd.s32 @!p5 $0xFFFFFCEE, s22;
	[sflag:s19] =	ssyncset.done @p1 $0x0;
	s28 =	sld [smem:$0x7FB]  }
0xab: {  	s22 =	sadd.s32 @!p5 $0xFFFFFFFB, s22;
	s20 =	simm.s32 @!p6 $0x0;
	[sflag:s19] =	ssyncadd.s32 @p1 $0xFFFFF000  }
0xac: {  	[hbm4b:s21+s20] =	stream.linear.scatter @!p6 [tilespmem:s14], [sflag:$0xA], $0x4000, $0x38;
	[tilespmem:$0x14FA0] =	vst v63  }
0xad: {  	p6 =	por @p4 $0x0, $0x0;
	s14 =	simm.s32 @!p4 $0x6;
	p0 =	seq.s32 s28, $0x1  }
0xae: {  	[hbm4b:s8+s17] =	stream.linear.scatter @p1 [tilespmem:s18], [sflag:$0xA], $0x1000, $0x38;
	[tilespmem:$0x14FA0] =	vst v63  }
0xaf: {  	p2 =	por @!p0 p6, p6;
	p0 =	por @!p4 $0x0, $0x0;
	_ =	swait.ge @!p4 [sflag:s14], $0x4000  }
0xb0: {  	p3 =	sgt.s32 @!p5 s22, $0x30C;
	p2 =	por @!p4 p0, p0;
	[sflag:s14] =	ssyncset.done @!p4 $0x0  }
0xb1: {  	p1 =	por !p3, p5;
	s17 =	simm.s32 @p2 $0x6;
	[sflag:s14] =	ssyncadd.s32 @!p4 $0xFFFFC000  }
0xb2: {  	s22 =	sadd.s32 $0x1, s15;
	p1 =	sne.s32 @!p1 s24, $0x0;
	_ =	swait.ge @p2 [sflag:s17], $0x1000  }
0xb3: {  	s20 =	sadd.s32 s5, s15;
	p0 =	por @!p5 p1, !p3;
	[sflag:s17] =	ssyncset.done @p2 $0x0  }
0xb4: {  	s18 =	simm.s32 @!p4 $0x0;
	p1 =	por p0, p5;
	[sflag:s17] =	ssyncadd.s32 @p2 $0xFFFFF000  }
0xb5: {  	[hbm4b:s23+s18] =	stream.linear.scatter @!p4 [tilespmem:s16], [sflag:$0xB], $0x4000, $0x38;
	[tilespmem:$0x14FA0] =	vst v63  }
0xb6: {  	s14 =	simm.s32 @p2 $0x0;
	s19 =	simm.s32 @!p1 $0x7;
	s17 =	simm.s32 @p2 $0x10C80  }
0xb7: {  	[hbm4b:s8+s14] =	stream.linear.scatter @p2 [tilespmem:s17], [sflag:$0xB], $0x1000, $0x38;
	[tilespmem:$0x14FA0] =	vst v63  }
0xb8: {  	p0 =	por p3, p5;
	p4 =	sgt.u32 s20, $0x30C;
	_ =	swait.ge @!p1 [sflag:s19], $0x1000  }
0xb9: {  	p3 =	por @p4 $0x0, $0x0;
	s14 =	simm.s32 @!p4 $0x0;
	[sflag:s19] =	ssyncset.done @!p1 $0x0  }
0xba: {  	s14 =	simm.s32 @p4 $0x1;
	[sflag:s19] =	ssyncadd.s32 @!p1 $0xFFFFF000;
	p1 =	sne.s32 @p4 s20, $0x30D  }
0xbb: {  	s17 =	simm.s32 @!p0 $0x7;
	[smem:$0x7E8] =	sst s14;
	p2 =	por p1, !p4  }
0xbc: {  	p1 =	por !p1, !p4;
	_ =	swait.ge @!p0 [sflag:s17], $0x4000;
	p6 =	por @!p2 $0x1, $0x1  }
0xbd: {  	s19 =	simm.s32 @!p2 $0x20;
	[sflag:s17] =	ssyncset.done @!p0 $0x0;
	p6 =	por @!p1 p3, p3  }
0xbe: {  	s24 =	simm.s32 @!p2 $0xC80;
	[sflag:s17] =	ssyncadd.s32 @!p0 $0xFFFFC000;
	s17 =	simm.s32 @!p6 $0x0  }
0xbf: {  	[tilespmem:s24], [sflag:$0x2] =	stream.indirect.gather @!p2 [spmem:s3], $0x80, s13, s19, $0xb8;
	[tilespmem:$0x14FA0] =	vst v63  }
0xc0: {  	s18 =	sadd.s32 s5, s22;
	s23 =	rddreg [dreg:$0x5];
	s17 =	simm.s32 @p6 $0x1  }
0xc1: {  	[smem:$0x7E9] =	sst s17;
	s17 =	sshll.u32 @!p4 s20, $0xB;
	s20 =	sadd.s32 @!p5 s15, s23  }
0xc2: {  	p6 =	sgt.u32 s18, $0x30C;
	p3 =	sgt.s32 @!p5 s20, $0x30C  }
0xc3: {  	s29 =	sld [smem:$0x7E8];
	s23 =	simm.s32 @!p6 $0x0;
	p1 =	por !p3, p5  }
0xc4: {  	p2 =	por @p6 $0x0, $0x0;
	s17 =	sadd.s32 @!p4 s2, s17;
	p0 =	sne.s32 @!p1 s20, $0x30D  }
0xc5: {  	s23 =	simm.s32 @p6 $0x1;
	p4 =	sne.s32 @p6 s18, $0x30D;
	p0 =	por @!p5 p0, !p3  }
0xc6: {  	[smem:$0x7EB] =	sst s23;
	s23 =	sshll.u32 @!p6 s22, $0x7;
	s20 =	simm.s32 @!p0 $0x0  }
0xc7: {  	p1 =	por p4, !p6;
	p4 =	por !p4, !p6;
	s20 =	simm.s32 @p0 $0x1  }
0xc8: {  	p0 =	por @!p1 $0x1, $0x1;
	[smem:$0x7E7] =	sst s20;
	s20 =	sshll.u32 @!p1 s22, $0x7  }
0xc9: {  	s22 =	sand.u32 @!p6 $0x3FFFFF80, s23;
	p0 =	por @!p4 p2, p2;
	s30 =	sld [smem:$0x7E7]  }
0xca: {  	p6 =	seq.s32 s29, $0x1;
	s23 =	sand.u32 @!p1 $0x3FFFFF80, s20;
	s20 =	simm.s32 @!p0 $0x0  }
0xcb: {  	s19 =	simm.s32 @!p6 $0xC80;
	s20 =	simm.s32 @p0 $0x1  }
0xcc: {  	[smem:$0x7EC] =	sst s20;
	s20 =	simm.s32 @!p6 $0x80;
	p4 =	seq.s32 s30, $0x1  }
0xcd: {  	[tilespmem:s19], [sflag:$0x2] =	stream.indirect.gather @!p6 [spmem:s3], $0x80, s13, s20, $0xb8;
	[tilespmem:$0x14FA0] =	vst v63  }
0xce: {  	p0 =	por p4, p5  }
0xcf: {  	s25 =	simm.s32 @!p0 $0x8  }
0xd0: {  	_ =	swait.ge @!p0 [sflag:s25], $0x1000  }
0xd1: {  	p2 =	por p3, p5;
	[sflag:s25] =	ssyncset.done @!p0 $0x0  }
0xd2: {  	s26 =	simm.s32 @!p2 $0x8;
	[sflag:s25] =	ssyncadd.s32 @!p0 $0xFFFFF000  }
0xd3: {  	s31 =	sld [smem:$0x7EB];
	_ =	swait.ge @!p2 [sflag:s26], $0x4000  }
0xd4: {  	s24 =	simm.s32 @!p1 $0x4C80;
	[sflag:s26] =	ssyncset.done @!p2 $0x0  }
0xd5: {  	s28 =	simm.s32 @!p1 $0x20;
	[sflag:s26] =	ssyncadd.s32 @!p2 $0xFFFFC000;
	s26 =	rddreg [dreg:$0x6]  }
0xd6: {  	[tilespmem:s24], [sflag:$0x3] =	stream.indirect.gather @!p1 [spmem:s3], $0x80, s23, s28, $0xb8;
	[tilespmem:$0x14FA0] =	vst v63  }
0xd7: {  	s23 =	sadd.s32 @!p5 s15, s26  }
0xd8: {  	p4 =	seq.s32 s31, $0x1;
	p0 =	sgt.s32 @!p5 s23, $0x30C  }
0xd9: {  	s25 =	simm.s32 @!p4 $0x80;
	s20 =	simm.s32 @!p4 $0x4C80;
	p2 =	por !p0, p5  }
0xda: {  	[tilespmem:s20], [sflag:$0x3] =	stream.indirect.gather @!p4 [spmem:s3], $0x80, s22, s25, $0xb8;
	[tilespmem:$0x14FA0] =	vst v63  }
0xdb: {  	p2 =	sne.s32 @!p2 s23, $0x30D  }
0xdc: {  	p1 =	por p0, p5;
	p0 =	por @!p5 p2, !p0  }
0xdd: {  	s16 =	sadd.s32 $0x2, s15;
	p0 =	por p0, p5  }
0xde: {  	s14 =	sadd.s32 s5, s16;
	s18 =	sshll.u32 @!p4 s18, $0xB;
	s23 =	simm.s32 @!p0 $0x9  }
0xdf: {  	p3 =	sgt.u32 s14, $0x30C;
	s18 =	sadd.s32 @!p4 s2, s18;
	_ =	swait.ge @!p0 [sflag:s23], $0x1000  }
0xe0: {  	s22 =	sshll.u32 @!p3 s16, $0x7;
	p2 =	sne.s32 @p3 s14, $0x30D;
	[sflag:s23] =	ssyncset.done @!p0 $0x0  }
0xe1: {  	s24 =	simm.s32 @!p1 $0x9;
	p4 =	por p2, !p3;
	[sflag:s23] =	ssyncadd.s32 @!p0 $0xFFFFF000  }
0xe2: {  	s26 =	sand.u32 @!p3 $0x3FFFFF80, s22;
	s16 =	sshll.u32 @!p4 s16, $0x7;
	_ =	swait.ge @!p1 [sflag:s24], $0x4000  }
0xe3: {  	s25 =	simm.s32 @!p4 $0x8C80;
	s16 =	sand.u32 @!p4 $0x3FFFFF80, s16;
	[sflag:s24] =	ssyncset.done @!p1 $0x0  }
0xe4: {  	s23 =	simm.s32 @!p4 $0x20;
	s22 =	rddreg [dreg:$0x7];
	[sflag:s24] =	ssyncadd.s32 @!p1 $0xFFFFC000  }
0xe5: {  	[tilespmem:s25], [sflag:$0x4] =	stream.indirect.gather @!p4 [spmem:s3], $0x80, s16, s23, $0xb8;
	[tilespmem:$0x14FA0] =	vst v63  }
0xe6: {  	s21 =	sadd.s32 $0x3, s15;
	p2 =	por !p2, !p3;
	s16 =	sadd.s32 @!p5 s15, s22  }
0xe7: {  	p0 =	por @p3 $0x0, $0x0;
	p4 =	por @!p4 $0x1, $0x1;
	p1 =	sgt.s32 @!p5 s16, $0x30C  }
0xe8: {  	s14 =	sshll.u32 @!p3 s14, $0xB;
	p4 =	por @!p2 p0, p0;
	p0 =	por !p1, p5  }
0xe9: {  	s22 =	sadd.s32 @!p3 s2, s14;
	s14 =	simm.s32 @!p4 $0x0;
	p0 =	sne.s32 @!p0 s16, $0x30D  }
0xea: {  	s24 =	simm.s32 @!p3 $0x8C80;
	s14 =	simm.s32 @p4 $0x1;
	p0 =	por @!p5 p0, !p1  }
0xeb: {  	[smem:$0x7ED] =	sst s14;
	s14 =	simm.s32 @!p3 $0x80;
	p0 =	por p0, p5  }
0xec: {  	[tilespmem:s24], [sflag:$0x4] =	stream.indirect.gather @!p3 [spmem:s3], $0x80, s26, s14, $0xb8;
	[tilespmem:$0x14FA0] =	vst v63  }
0xed: {  	s16 =	sadd.s32 s5, s21;
	p4 =	por p1, p5;
	s23 =	simm.s32 @!p0 $0xA  }
0xee: {  	p6 =	sgt.u32 s16, $0x30C;
	s25 =	simm.s32 @!p4 $0xA;
	_ =	swait.ge @!p0 [sflag:s23], $0x1000  }
0xef: {  	p2 =	sne.s32 @p6 s16, $0x30D;
	s28 =	simm.s32 @!p6 $0x80;
	[sflag:s23] =	ssyncset.done @!p0 $0x0  }
0xf0: {  	s14 =	simm.s32 @!p6 $0xCC80;
	p1 =	por p2, !p6;
	[sflag:s23] =	ssyncadd.s32 @!p0 $0xFFFFF000  }
0xf1: {  	s26 =	simm.s32 @!p1 $0xCC80;
	s23 =	sshll.u32 @!p1 s21, $0x7;
	_ =	swait.ge @!p4 [sflag:s25], $0x4000  }
0xf2: {  	s21 =	sshll.u32 @!p6 s21, $0x7;
	p0 =	por @p6 $0x0, $0x0;
	[sflag:s25] =	ssyncset.done @!p4 $0x0  }
0xf3: {  	s23 =	sand.u32 @!p1 $0x3FFFFF80, s23;
	s29 =	rddreg [dreg:$0x8];
	[sflag:s25] =	ssyncadd.s32 @!p4 $0xFFFFC000  }
0xf4: {  	s25 =	simm.s32 @!p1 $0x20;
	p4 =	por !p2, !p6;
	p2 =	por p6, p6  }
0xf5: {  	[tilespmem:s26], [sflag:$0x5] =	stream.indirect.gather @!p1 [spmem:s3], $0x80, s23, s25, $0xb8;
	[tilespmem:$0x14FA0] =	vst v63  }
0xf6: {  	s23 =	sand.u32 @!p6 $0x3FFFFF80, s21;
	s25 =	sadd.s32 @!p5 s15, s29;
	s21 =	simm.s32 @!p6 $0x0  }
0xf7: {  	p1 =	por @!p1 $0x1, $0x1;
	s21 =	simm.s32 @p6 $0x1;
	p6 =	sgt.s32 @!p5 s25, $0x30C  }
0xf8: {  	[tilespmem:s14], [sflag:$0x5] =	stream.indirect.gather @!p2 [spmem:s3], $0x80, s23, s28, $0xb8;
	[tilespmem:$0x14FA0] =	vst v63  }
0xf9: {  	p1 =	por @!p4 p0, p0;
	p0 =	por !p6, p5;
	s28 =	sld [smem:$0x7E8]  }
0xfa: {  	p0 =	sne.s32 @!p0 s25, $0x30D  }
0xfb: {  	p0 =	por @!p5 p0, !p6  }
0xfc: {  	p4 =	por p0, p5;
	p0 =	seq.s32 s28, $0x1  }
0xfd: {  	[smem:$0x7F6] =	sst s21;
	s21 =	sshll.u32 @!p2 s16, $0xB;
	p2 =	por @!p0 $0x0, $0x0  }
0xfe: {  	s16 =	simm.s32 @!p2 $0x0  }
0xff: {  	s16 =	simm.s32 @p2 $0x1  }
0x100: {  	s15 =	sadd.s32 $0x4, s15;
	[smem:$0x7EA] =	sst s16;
	s16 =	simm.s32 @!p4 $0xB  }
0x101: {  	s23 =	sadd.s32 s5, s15;
	s25 =	simm.s32 @!p0 $0x2;
	_ =	swait.ge @!p4 [sflag:s16], $0x1000  }
0x102: {  	p0 =	por p6, p5;
	p2 =	sgt.u32 s23, $0x30C;
	[sflag:s16] =	ssyncset.done @!p4 $0x0  }
0x103: {  	p5 =	sne.s32 @p2 s23, $0x30D;
	[sflag:s16] =	ssyncadd.s32 @!p4 $0xFFFFF000;
	s16 =	simm.s32 @!p0 $0xB  }
0x104: {  	p4 =	por p2, p2;
	p2 =	por p5, !p2;
	_ =	swait.ge @!p0 [sflag:s16], $0x4000  }
0x105: {  	s26 =	sshll.u32 @!p4 s15, $0x7;
	s15 =	sshll.u32 @!p2 s15, $0x7;
	s28 =	simm.s32 @!p2 $0x10C80  }
0x106: {  	[sflag:s16] =	ssyncset.done @!p0 $0x0;
	s15 =	sand.u32 @!p2 $0x3FFFFF80, s15;
	s29 =	sld [smem:$0x7E8]  }
0x107: {  	[sflag:s16] =	ssyncadd.s32 @!p0 $0xFFFFC000;
	s16 =	simm.s32 @!p2 $0x20;
	p0 =	por !p5, !p4  }
0x108: {  	[tilespmem:s28], [sflag:$0x6] =	stream.indirect.gather @!p2 [spmem:s3], $0x80, s15, s16, $0xb8;
	[tilespmem:$0x14FA0] =	vst v63  }
0x109: {  	s15 =	sand.u32 @!p4 $0x3FFFFF80, s26;
	s26 =	simm.s32 @!p4 $0x80;
	s16 =	simm.s32 @!p4 $0x10C80  }
0x10a: {  	[tilespmem:s16], [sflag:$0x6] =	stream.indirect.gather @!p4 [spmem:s3], $0x80, s15, s26, $0xb8;
	[tilespmem:$0x14FA0] =	vst v63  }
0x10b: {  	s15 =	simm.s32 @!p0 $0x0  }
0x10c: {  	s15 =	simm.s32 @p0 $0x1  }
0x10d: {  	p0 =	seq.s32 s29, $0x1;
	[smem:$0x7FB] =	sst s15  }
0x10e: {  	_ =	swait.ge @!p0 [sflag:s25], $0x4000  }
0x10f: {  	s30 =	sld [smem:$0x7E9]  }
0x110: {  	s31 =	sld [smem:$0x7EA];
	_ =	sdelay $0x2  }
0x111: {  	p5 =	seq.s32 s30, $0x1;
	p6 =	seq.s32 s31, $0x1  }
0x112: {  	[sflag:s25] =	ssyncset.done @!p0 $0x0;
	p5 =	por @!p0 p6, p6  }
0x113: {  	[sflag:s25] =	ssyncadd.s32 @!p0 $0xFFFFC000;
	s25 =	simm.s32 @p5 $0x2  }
0x114: {  	s15 =	sshll.u32 @!p4 s23, $0xB;
	_ =	swait.ge @p5 [sflag:s25], $0x1000  }
0x115: {  	s23 =	sadd.s32 @!p4 s2, s15;
	[sflag:s25] =	ssyncset.done @p5 $0x0  }
0x116: {  	s15 =	simm.s32 @!p0 $0x0;
	s26 =	sld [smem:$0x7EB];
	[sflag:s25] =	ssyncadd.s32 @p5 $0xFFFFF000  }
0x117: {  	[hbm4b:s17+s15] =	stream.linear.scatter @!p0 [tilespmem:s19], [sflag:$0x7], $0x4000, $0x38;
	[tilespmem:$0x14FA0] =	vst v63  }
0x118: {  	s15 =	simm.s32 @p5 $0x0  }
0x119: {  	s17 =	simm.s32 @p5 $0xC80;
	p0 =	por p5, p5;
	p5 =	seq.s32 s26, $0x1  }
0x11a: {  	s19 =	simm.s32 @!p5 $0x3  }
0x11b: {  	[hbm4b:s8+s15] =	stream.linear.scatter @p0 [tilespmem:s17], [sflag:$0x7], $0x1000, $0x38;
	[tilespmem:$0x14FA0] =	vst v63  }
0x11c: {  	_ =	swait.ge @!p5 [sflag:s19], $0x4000  }
0x11d: {  	s28 =	sld [smem:$0x7EC];
	_ =	sdelay $0x2  }
0x11e: {  	p6 =	por @!p5 $0x0, $0x0;
	p0 =	seq.s32 s28, $0x1  }
0x11f: {  	[sflag:s19] =	ssyncset.done @!p5 $0x0;
	p0 =	por @!p5 p6, p6  }
0x120: {  	[sflag:s19] =	ssyncadd.s32 @!p5 $0xFFFFC000;
	s15 =	simm.s32 @p0 $0x3  }
0x121: {  	_ =	swait.ge @p0 [sflag:s15], $0x1000  }
0x122: {  	[sflag:s15] =	ssyncset.done @p0 $0x0  }
0x123: {  	[sflag:s15] =	ssyncadd.s32 @p0 $0xFFFFF000;
	s15 =	simm.s32 @!p5 $0x0  }
0x124: {  	[hbm4b:s18+s15] =	stream.linear.scatter @!p5 [tilespmem:s20], [sflag:$0x8], $0x4000, $0x38;
	[tilespmem:$0x14FA0] =	vst v63  }
0x125: {  	s17 =	simm.s32 @p0 $0x4C80;
	s15 =	simm.s32 @p0 $0x0;
	s18 =	simm.s32 @!p3 $0x4  }
0x126: {  	[hbm4b:s8+s15] =	stream.linear.scatter @p0 [tilespmem:s17], [sflag:$0x8], $0x1000, $0x38;
	[tilespmem:$0x14FA0] =	vst v63  }
0x127: {  	_ =	swait.ge @!p3 [sflag:s18], $0x4000  }
0x128: {  	s29 =	sld [smem:$0x7ED];
	_ =	sdelay $0x2  }
0x129: {  	p0 =	por @!p3 $0x0, $0x0;
	p5 =	seq.s32 s29, $0x1  }
0x12a: {  	[sflag:s18] =	ssyncset.done @!p3 $0x0;
	p5 =	por @!p3 p0, p0  }
0x12b: {  	[sflag:s18] =	ssyncadd.s32 @!p3 $0xFFFFC000;
	s15 =	simm.s32 @p5 $0x4  }
0x12c: {  	_ =	swait.ge @p5 [sflag:s15], $0x1000  }
0x12d: {  	s30 =	sld [smem:$0x7F6];
	[sflag:s15] =	ssyncset.done @p5 $0x0  }
0x12e: {  	[sflag:s15] =	ssyncadd.s32 @p5 $0xFFFFF000;
	s15 =	simm.s32 @!p3 $0x0  }
0x12f: {  	[hbm4b:s22+s15] =	stream.linear.scatter @!p3 [tilespmem:s24], [sflag:$0x9], $0x4000, $0x38;
	[tilespmem:$0x14FA0] =	vst v63  }
0x130: {  	p6 =	seq.s32 s30, $0x1  }
0x131: {  	s20 =	simm.s32 @p5 $0x8C80;
	s15 =	simm.s32 @p5 $0x0;
	s19 =	simm.s32 @!p6 $0x5  }
0x132: {  	[hbm4b:s8+s15] =	stream.linear.scatter @p5 [tilespmem:s20], [sflag:$0x9], $0x1000, $0x38;
	[tilespmem:$0x14FA0] =	vst v63  }
0x133: {  	_ =	swait.ge @!p6 [sflag:s19], $0x4000  }
0x134: {  	s31 =	sld [smem:$0x7EE];
	_ =	sdelay $0x1  }
0x135: {  	p0 =	por @!p6 $0x0, $0x0  }
0x136: {  	p1 =	por @!p6 p0, p0;
	p0 =	seq.s32 s31, $0x1  }
.Ltmp0:
0x137: {  	_ = 	snop;
	(pc) =	sbr.rel @p0 .LBB2_2-.Ltmp0, $2  }
0x138: {  	_ =	sdelay $0x2  }
0x139: {  	p2 =	por @!p2 $0x1, $0x1;
	s17 =	simm.s32 @p1 $0x0;
	s18 =	simm.s32 @p1 $0xCC80  }
0x13a: {  	[sflag:s19] =	ssyncset.done @!p6 $0x0  }
0x13b: {  	s12 =	simm.s32 @p1 $0x5;
	[sflag:s19] =	ssyncadd.s32 @!p6 $0xFFFFC000  }
0x13c: {  	_ =	swait.ge @p1 [sflag:s12], $0x1000  }
0x13d: {  	[sflag:s12] =	ssyncset.done @p1 $0x0;
	s30 =	sld [smem:$0x7FB]  }
0x13e: {  	s13 =	simm.s32 @!p6 $0x0;
	s15 =	sadd.s32 @!p6 s2, s21;
	[sflag:s12] =	ssyncadd.s32 @p1 $0xFFFFF000  }
0x13f: {  	[hbm4b:s15+s13] =	stream.linear.scatter @!p6 [tilespmem:s14], [sflag:$0xA], $0x4000, $0x38;
	[tilespmem:$0x14FA0] =	vst v63  }
0x140: {  	p0 =	por @p4 $0x0, $0x0;
	s12 =	simm.s32 @!p4 $0x6;
	p3 =	seq.s32 s30, $0x1  }
0x141: {  	[hbm4b:s8+s17] =	stream.linear.scatter @p1 [tilespmem:s18], [sflag:$0xA], $0x1000, $0x38;
	[tilespmem:$0x14FA0] =	vst v63  }
0x142: {  	p1 =	por @!p4 $0x0, $0x0;
	p2 =	por @!p3 p0, p0;
	_ =	swait.ge @!p4 [sflag:s12], $0x4000  }
0x143: {  	p2 =	por @!p4 p1, p1;
	[sflag:s12] =	ssyncset.done @!p4 $0x0  }
0x144: {  	[sflag:s12] =	ssyncadd.s32 @!p4 $0xFFFFC000;
	s12 =	simm.s32 @p2 $0x6  }
0x145: {  	_ =	swait.ge @p2 [sflag:s12], $0x1000  }
0x146: {  	[sflag:s12] =	ssyncset.done @p2 $0x0;
	s31 =	sld [smem:$0x7FD]  }
0x147: {  	s13 =	simm.s32 @!p4 $0x0;
	[sflag:s12] =	ssyncadd.s32 @p2 $0xFFFFF000  }
0x148: {  	[hbm4b:s23+s13] =	stream.linear.scatter @!p4 [tilespmem:s16], [sflag:$0xB], $0x4000, $0x38;
	[tilespmem:$0x14FA0] =	vst v63  }
0x149: {  	s12 =	simm.s32 @p2 $0x0;
	s13 =	simm.s32 @p2 $0x10C80;
	p3 =	seq.s32 s31, $0x1  }
0x14a: {  	[hbm4b:s8+s12] =	stream.linear.scatter @p2 [tilespmem:s13], [sflag:$0xB], $0x1000, $0x38;
	[tilespmem:$0x14FA0] =	vst v63  }
0x14b: {  	s12 =	simm.s32 @!p3 $0x7  }
0x14c: {  	_ =	swait.ge @!p3 [sflag:s12], $0x4000  }
0x14d: {  	[sflag:s12] =	ssyncset.done @!p3 $0x0  }
0x14e: {  	[sflag:s12] =	ssyncadd.s32 @!p3 $0xFFFFC000;
	s12 =	simm.s32 @!p3 $0x8  }
0x14f: {  	_ =	swait.ge @!p3 [sflag:s12], $0x4000  }
0x150: {  	[sflag:s12] =	ssyncset.done @!p3 $0x0  }
0x151: {  	[sflag:s12] =	ssyncadd.s32 @!p3 $0xFFFFC000;
	s12 =	simm.s32 @!p3 $0x9  }
0x152: {  	_ =	swait.ge @!p3 [sflag:s12], $0x4000  }
0x153: {  	[sflag:s12] =	ssyncset.done @!p3 $0x0  }
0x154: {  	s11 =	sadd.s32 $0x1, s11;
	[sflag:s12] =	ssyncadd.s32 @!p3 $0xFFFFC000;
	s12 =	simm.s32 @!p3 $0xA  }
0x155: {  	p0 =	sne.s32 s11, s9;
	_ =	swait.ge @!p3 [sflag:s12], $0x4000  }
.Ltmp1:
0x156: {  	[sflag:s12] =	ssyncset.done @!p3 $0x0;
	(pc) =	sbr.rel @p0 .LBB2_1-.Ltmp1, $4  }
0x157: {  	[sflag:s12] =	ssyncadd.s32 @!p3 $0xFFFFC000;
	s12 =	simm.s32 @!p3 $0xB  }
0x158: {  	_ =	swait.ge @!p3 [sflag:s12], $0x4000  }
0x159: {  	[sflag:s12] =	ssyncset.done @!p3 $0x0  }
0x15a: {  	[sflag:s12] =	ssyncadd.s32 @!p3 $0xFFFFC000  }
0x15b: {  	_ =	sfence.sel $0x180000  }
0x15c: {  	[bflag:$0x0] =	sbarrier.arrive $0xFFFF  }
0x15d: {  	_ =	strace $0x90000047  }
0x15e: {  	[bflag:$0x2] =	sbarrier.arrive $0xFFFF  }
0x15f: {  	s0 =	sld [smem:$0x7FC];
	_ =	sdelay $0x2  }
0x160: {  	p0 =	seq.s32 s0, $0x1  }
0x161: {  	s0 =	sadd.s32 @!p0 $0x100000, s1  }
0x162: {  	[sflag:s0] =	ssyncadd.tile.s32 @!p0 $0x1;
	_ =	shalt  }
.Lfunc_end2:
_tile_overlayer_lowered:
.L_overlay_start_2:
0x163: {  	(tag) =	ssettag $0x2  }
0x164: {  	s0 =	rddreg [dreg:$0x0];
	s2 =	stileid.u32  }
0x165: {  	s1 =	rddreg [dreg:$0x1];
	p0 =	sne.s32 s2, $0x0  }
0x166: {  	s3 =	rddreg [dreg:$0x2];
	[bflag:$0x3] =	sbarrier.arrive $0xFFFF;
	s2 =	simm.s32 @!p0 $0x1C0C  }
0x167: {  	[timem:s3], [sflag:s2] =	dma.local @!p0 [hbm:s0], s1  }
0x168: {  	s0 =	simm.s32 @!p0 $0xC  }
0x169: {  	_ =	swait.ge @!p0 [sflag:s0], s1  }
0x16a: {  	s1 =	ssub.s32 @!p0 $0x0, s1;
	[sflag:s0] =	ssyncset.done @!p0 $0x0  }
0x16b: {  	[sflag:s0] =	ssyncadd.s32 @!p0 s1  }
0x16c: {  	[bflag:$0x3] =	sbarrier.arrive $0xFFFF  }
0x16d: {  	_ =	shalt  }

</sc_bundles>
